<compile_context>
chip_gen: v7x
topology: tpu7x:2x2x1
jax: 0.10.2.dev20260603
libtpu: 0.0.44.dev20260713+nightly
codegen_flags: <defaults>
</compile_context>

<pallas_src>
import functools

import jax
import jax.numpy as jnp
from jax import lax
from jax.experimental import pallas as pl
from jax.experimental.pallas import tpu as pltpu
from jax.experimental.pallas import tpu_sc as plsc

NC = 2
NS = 16
NW = NC * NS

B = 4096 * 200
D = 32
BPW = B // NW

G = 128
K = 8
CHUNK = K * G
NCHUNKS = BPW // CHUNK
IDX_ROWS_PER_W = BPW // G

_mesh = plsc.VectorSubcoreMesh(core_axis_name="c", subcore_axis_name="s")


@functools.partial(
    pl.kernel,
    mesh=_mesh,
    compiler_params=pltpu.CompilerParams(use_tc_tiling_on_sc=False),
    out_type=jax.ShapeDtypeStruct((B, D), jnp.float32),
    scratch_types=[
        pltpu.VMEM((IDX_ROWS_PER_W, G), jnp.int32),
        pltpu.VMEM((3, CHUNK, D), jnp.float32),
        pltpu.SemaphoreType.DMA,
        pltpu.SemaphoreType.DMA,
        pltpu.SemaphoreType.DMA,
        pltpu.SemaphoreType.DMA,
        pltpu.SemaphoreType.DMA,
        pltpu.SemaphoreType.DMA,
    ],
)
def _sc_gather(
    idx_hbm, table_hbm, out_hbm, idx_v, rows_v, g0, g1, g2, w0, w1, w2
):
    wid = lax.axis_index("s") * NC + lax.axis_index("c")
    idx_row0 = wid * IDX_ROWS_PER_W
    out_row0 = wid * BPW
    gsems = (g0, g1, g2)
    wsems = (w0, w1, w2)

    def start_gather(j, s):
        for r in range(K):
            pltpu.async_copy(
                table_hbm.at[idx_v.at[j * K + r]],
                rows_v.at[s, pl.ds(r * G, G)],
                gsems[s],
            )

    def wait_gather(s):
        pltpu.make_async_copy(
            out_hbm.at[pl.ds(0, CHUNK)], rows_v.at[s], gsems[s]
        ).wait()

    def start_write(j, s):
        pltpu.async_copy(
            rows_v.at[s], out_hbm.at[pl.ds(out_row0 + j * CHUNK, CHUNK)], wsems[s]
        )

    def wait_write(s):
        pltpu.make_async_copy(
            rows_v.at[s], out_hbm.at[pl.ds(0, CHUNK)], wsems[s]
        ).wait()

    pltpu.sync_copy(
        idx_hbm.at[pl.ds(idx_row0, IDX_ROWS_PER_W)], idx_v
    )

    start_gather(0, 0)

    start_gather(1, 1)
    wait_gather(0)
    start_write(0, 0)

    start_gather(2, 2)
    wait_gather(1)
    start_write(1, 1)

    @pl.loop(0, 7)
    def _(t):
        j = 2 + 3 * t
        wait_write(0)
        start_gather(j + 1, 0)
        wait_gather(2)
        start_write(j, 2)
        wait_write(1)
        start_gather(j + 2, 1)
        wait_gather(0)
        start_write(j + 1, 0)
        wait_write(2)
        start_gather(j + 3, 2)
        wait_gather(1)
        start_write(j + 2, 1)

    wait_write(0)
    start_gather(24, 0)
    wait_gather(2)
    start_write(23, 2)

    wait_gather(0)
    start_write(24, 0)

    wait_write(1)
    wait_write(2)
    wait_write(0)


def kernel(words, word_table):
    flat_idx = words.reshape(B // G, G)
    out = _sc_gather(flat_idx, word_table)
    return out.reshape(*words.shape, D)

# --- scband reference (transcript-rebuilt; emitter-appended) ---
"""Pipeline reference for scband-word-embedder-46291157516337 (READ-ONLY COPY).

The authoritative reference and input builder live on the scoring server;
editing this copy changes nothing except your own understanding.
"""

import jax, jax.numpy as jnp
import numpy as np

VOCAB = 1000000
EMBED_DIM = 32
BATCH = 4096
HIST = 200


def setup_inputs(seed: int = 0) -> dict:
    key = jax.random.key(seed)
    k1, k2 = jax.random.split(key)
    words = jax.random.randint(k1, (BATCH, HIST), 0, VOCAB, dtype=jnp.int32)
    word_table = jax.random.normal(k2, (VOCAB, EMBED_DIM), dtype=jnp.float32)
    return {"words": words, "word_table": word_table}


def reference(words, word_table):
    # Faithful translation of WordEmbedder.forward:
    #   flatten indices, gather rows from the lookup table, reshape back
    idx_shape = words.shape
    flat_idx = words.reshape(-1)
    indexed = jnp.take(word_table, flat_idx, axis=0)
    return indexed.reshape(*idx_shape, -1)

if __name__ == "__main__":
    import jax
    _d = setup_inputs()
    print(jax.jit(kernel)(*tuple(_d.values())))

</pallas_src>

<mosaic_0001>
#map = affine_map<(d0, d1) -> (0, 0)>
module attributes {stable_mosaic.version = 14 : i64} {
  func.func @_sc_gather(%arg0: i32, %arg1: i32, %arg2: memref<6400x128xi32, #tpu.memory_space<hbm>>, %arg3: memref<1000000x32xf32, #tpu.memory_space<hbm>>, %arg4: memref<819200x32xf32, #tpu.memory_space<hbm>>, %arg5: memref<200x128xi32, #tpu.memory_space<vmem>>, %arg6: memref<3x1024x32xf32, #tpu.memory_space<vmem>>, %arg7: memref<!tpu.dma_semaphore, #tpu.memory_space<semaphore_mem>>, %arg8: memref<!tpu.dma_semaphore, #tpu.memory_space<semaphore_mem>>, %arg9: memref<!tpu.dma_semaphore, #tpu.memory_space<semaphore_mem>>, %arg10: memref<!tpu.dma_semaphore, #tpu.memory_space<semaphore_mem>>, %arg11: memref<!tpu.dma_semaphore, #tpu.memory_space<semaphore_mem>>, %arg12: memref<!tpu.dma_semaphore, #tpu.memory_space<semaphore_mem>>) attributes {dimension_semantics = [#tpu.dimension_semantics<core_parallel>, #tpu.dimension_semantics<subcore_parallel>], iteration_bounds = array<i64: 2, 16>, scalar_prefetch = 0 : i64, scratch_operands = 8 : i64, tpu.core_type = #tpu.core_type<sc_vector_subcore>, window_params = [{transform_indices = #map}, {transform_indices = #map}, {transform_indices = #map}]} {
    %mul3A = arith.constant 2 : i32
    %mul3A_0 = arith.muli %arg1, %mul3A : i32
    %add3A = arith.addi %mul3A_0, %arg0 : i32
    %mul3A_1 = arith.constant 200 : i32
    %mul3A_2 = arith.muli %add3A, %mul3A_1 : i32
    %mul3A_3 = arith.constant 25600 : i32
    %mul3A_4 = arith.muli %add3A, %mul3A_3 : i32
    "tpu.region"() ({
      %run_scoped3A = tpu.sem_alloc : memref<!tpu.dma_semaphore, #tpu.memory_space<semaphore_mem>>
      %dma_start3A_571 = arith.constant 0 : i32
      %dma_start3A_572 = tpu.memref_slice %arg2[%mul3A_2, %dma_start3A_571] : memref<6400x128xi32, #tpu.memory_space<hbm>> -> memref<200x128xi32, #tpu.memory_space<hbm>>
      %dma_start3A_573 = arith.constant 0 : i32
      %dma_start3A_574 = tpu.memref_slice %arg2[%mul3A_2, %dma_start3A_573] : memref<6400x128xi32, #tpu.memory_space<hbm>> -> memref<200x128xi32, #tpu.memory_space<hbm>>
      tpu.enqueue_dma source(%dma_start3A_574 : memref<200x128xi32, #tpu.memory_space<hbm>>) target(%arg5 : memref<200x128xi32, #tpu.memory_space<vmem>>) target_semaphore(%run_scoped3A : memref<!tpu.dma_semaphore, #tpu.memory_space<semaphore_mem>>)
      %dma_wait3A_575 = arith.constant 0 : i32
      %dma_wait3A_576 = tpu.memref_slice %arg2[%mul3A_2, %dma_wait3A_575] : memref<6400x128xi32, #tpu.memory_space<hbm>> -> memref<200x128xi32, #tpu.memory_space<hbm>>
      %dma_wait3A_577 = arith.constant 0 : i32
      %dma_wait3A_578 = tpu.memref_slice %arg2[%mul3A_2, %dma_wait3A_577] : memref<6400x128xi32, #tpu.memory_space<hbm>> -> memref<200x128xi32, #tpu.memory_space<hbm>>
      tpu.wait_dma2 semaphore(%run_scoped3A : memref<!tpu.dma_semaphore, #tpu.memory_space<semaphore_mem>>) src(%dma_wait3A_578 : memref<200x128xi32, #tpu.memory_space<hbm>>) dst(%arg5 : memref<200x128xi32, #tpu.memory_space<vmem>>)
      tpu.yield
    }) : () -> ()
    %dma_start3A = arith.constant 0 : i32
    %dma_start3A_5 = arith.constant 0 : i32
    %dma_start3A_6 = arith.constant 0 : i32
    %dma_start3A_7 = arith.constant 0 : i32
    %dma_start3A_8 = tpu.memref_slice %arg6[%dma_start3A_5, %dma_start3A_6, %dma_start3A_7] : memref<3x1024x32xf32, #tpu.memory_space<vmem>> -> memref<1x128x32xf32, #tpu.memory_space<vmem>>
    %dma_start3A_9 = tpu.memref_squeeze %dma_start3A_8 : memref<1x128x32xf32, #tpu.memory_space<vmem>> -> memref<128x32xf32, #tpu.memory_space<vmem>>
    %dma_start3A_10 = arith.constant 0 : i32
    %dma_start3A_11 = tpu.memref_slice %arg5[%dma_start3A, %dma_start3A_10] : memref<200x128xi32, #tpu.memory_space<vmem>> -> memref<1x128xi32, #tpu.memory_space<vmem>>
    %dma_start3A_12 = tpu.memref_squeeze %dma_start3A_11 : memref<1x128xi32, #tpu.memory_space<vmem>> -> memref<128xi32, #tpu.memory_space<vmem>>
    %dma_start3A_13 = arith.constant 0 : i32
    %dma_start3A_14 = arith.constant 0 : i32
    %dma_start3A_15 = tpu.memref_slice %arg3[%dma_start3A_13, %dma_start3A_14] : memref<1000000x32xf32, #tpu.memory_space<hbm>> -> memref<1000000x32xf32, #tpu.memory_space<hbm>>
    tpu.enqueue_indirect_dma source(%dma_start3A_15 : memref<1000000x32xf32, #tpu.memory_space<hbm>>) target(%dma_start3A_9 : memref<128x32xf32, #tpu.memory_space<vmem>>) offsets(%dma_start3A_12 : memref<128xi32, #tpu.memory_space<vmem>>) semaphore(%arg7 : memref<!tpu.dma_semaphore, #tpu.memory_space<semaphore_mem>>)
    %dma_start3A_16 = arith.constant 1 : i32
    %dma_start3A_17 = arith.constant 0 : i32
    %dma_start3A_18 = arith.constant 128 : i32
    %dma_start3A_19 = arith.constant 0 : i32
    %dma_start3A_20 = tpu.memref_slice %arg6[%dma_start3A_17, %dma_start3A_18, %dma_start3A_19] : memref<3x1024x32xf32, #tpu.memory_space<vmem>> -> memref<1x128x32xf32, #tpu.memory_space<vmem>>
    %dma_start3A_21 = tpu.memref_squeeze %dma_start3A_20 : memref<1x128x32xf32, #tpu.memory_space<vmem>> -> memref<128x32xf32, #tpu.memory_space<vmem>>
    %dma_start3A_22 = arith.constant 0 : i32
    %dma_start3A_23 = tpu.memref_slice %arg5[%dma_start3A_16, %dma_start3A_22] : memref<200x128xi32, #tpu.memory_space<vmem>> -> memref<1x128xi32, #tpu.memory_space<vmem>>
    %dma_start3A_24 = tpu.memref_squeeze %dma_start3A_23 : memref<1x128xi32, #tpu.memory_space<vmem>> -> memref<128xi32, #tpu.memory_space<vmem>>
    %dma_start3A_25 = arith.constant 0 : i32
    %dma_start3A_26 = arith.constant 0 : i32
    %dma_start3A_27 = tpu.memref_slice %arg3[%dma_start3A_25, %dma_start3A_26] : memref<1000000x32xf32, #tpu.memory_space<hbm>> -> memref<1000000x32xf32, #tpu.memory_space<hbm>>
    tpu.enqueue_indirect_dma source(%dma_start3A_27 : memref<1000000x32xf32, #tpu.memory_space<hbm>>) target(%dma_start3A_21 : memref<128x32xf32, #tpu.memory_space<vmem>>) offsets(%dma_start3A_24 : memref<128xi32, #tpu.memory_space<vmem>>) semaphore(%arg7 : memref<!tpu.dma_semaphore, #tpu.memory_space<semaphore_mem>>)
    %dma_start3A_28 = arith.constant 2 : i32
    %dma_start3A_29 = arith.constant 0 : i32
    %dma_start3A_30 = arith.constant 256 : i32
    %dma_start3A_31 = arith.constant 0 : i32
    %dma_start3A_32 = tpu.memref_slice %arg6[%dma_start3A_29, %dma_start3A_30, %dma_start3A_31] : memref<3x1024x32xf32, #tpu.memory_space<vmem>> -> memref<1x128x32xf32, #tpu.memory_space<vmem>>
    %dma_start3A_33 = tpu.memref_squeeze %dma_start3A_32 : memref<1x128x32xf32, #tpu.memory_space<vmem>> -> memref<128x32xf32, #tpu.memory_space<vmem>>
    %dma_start3A_34 = arith.constant 0 : i32
    %dma_start3A_35 = tpu.memref_slice %arg5[%dma_start3A_28, %dma_start3A_34] : memref<200x128xi32, #tpu.memory_space<vmem>> -> memref<1x128xi32, #tpu.memory_space<vmem>>
    %dma_start3A_36 = tpu.memref_squeeze %dma_start3A_35 : memref<1x128xi32, #tpu.memory_space<vmem>> -> memref<128xi32, #tpu.memory_space<vmem>>
    %dma_start3A_37 = arith.constant 0 : i32
    %dma_start3A_38 = arith.constant 0 : i32
    %dma_start3A_39 = tpu.memref_slice %arg3[%dma_start3A_37, %dma_start3A_38] : memref<1000000x32xf32, #tpu.memory_space<hbm>> -> memref<1000000x32xf32, #tpu.memory_space<hbm>>
    tpu.enqueue_indirect_dma source(%dma_start3A_39 : memref<1000000x32xf32, #tpu.memory_space<hbm>>) target(%dma_start3A_33 : memref<128x32xf32, #tpu.memory_space<vmem>>) offsets(%dma_start3A_36 : memref<128xi32, #tpu.memory_space<vmem>>) semaphore(%arg7 : memref<!tpu.dma_semaphore, #tpu.memory_space<semaphore_mem>>)
    %dma_start3A_40 = arith.constant 3 : i32
    %dma_start3A_41 = arith.constant 0 : i32
    %dma_start3A_42 = arith.constant 384 : i32
    %dma_start3A_43 = arith.constant 0 : i32
    %dma_start3A_44 = tpu.memref_slice %arg6[%dma_start3A_41, %dma_start3A_42, %dma_start3A_43] : memref<3x1024x32xf32, #tpu.memory_space<vmem>> -> memref<1x128x32xf32, #tpu.memory_space<vmem>>
    %dma_start3A_45 = tpu.memref_squeeze %dma_start3A_44 : memref<1x128x32xf32, #tpu.memory_space<vmem>> -> memref<128x32xf32, #tpu.memory_space<vmem>>
    %dma_start3A_46 = arith.constant 0 : i32
    %dma_start3A_47 = tpu.memref_slice %arg5[%dma_start3A_40, %dma_start3A_46] : memref<200x128xi32, #tpu.memory_space<vmem>> -> memref<1x128xi32, #tpu.memory_space<vmem>>
    %dma_start3A_48 = tpu.memref_squeeze %dma_start3A_47 : memref<1x128xi32, #tpu.memory_space<vmem>> -> memref<128xi32, #tpu.memory_space<vmem>>
    %dma_start3A_49 = arith.constant 0 : i32
    %dma_start3A_50 = arith.constant 0 : i32
    %dma_start3A_51 = tpu.memref_slice %arg3[%dma_start3A_49, %dma_start3A_50] : memref<1000000x32xf32, #tpu.memory_space<hbm>> -> memref<1000000x32xf32, #tpu.memory_space<hbm>>
    tpu.enqueue_indirect_dma source(%dma_start3A_51 : memref<1000000x32xf32, #tpu.memory_space<hbm>>) target(%dma_start3A_45 : memref<128x32xf32, #tpu.memory_space<vmem>>) offsets(%dma_start3A_48 : memref<128xi32, #tpu.memory_space<vmem>>) semaphore(%arg7 : memref<!tpu.dma_semaphore, #tpu.memory_space<semaphore_mem>>)
    %dma_start3A_52 = arith.constant 4 : i32
    %dma_start3A_53 = arith.constant 0 : i32
    %dma_start3A_54 = arith.constant 512 : i32
    %dma_start3A_55 = arith.constant 0 : i32
    %dma_start3A_56 = tpu.memref_slice %arg6[%dma_start3A_53, %dma_start3A_54, %dma_start3A_55] : memref<3x1024x32xf32, #tpu.memory_space<vmem>> -> memref<1x128x32xf32, #tpu.memory_space<vmem>>
    %dma_start3A_57 = tpu.memref_squeeze %dma_start3A_56 : memref<1x128x32xf32, #tpu.memory_space<vmem>> -> memref<128x32xf32, #tpu.memory_space<vmem>>
    %dma_start3A_58 = arith.constant 0 : i32
    %dma_start3A_59 = tpu.memref_slice %arg5[%dma_start3A_52, %dma_start3A_58] : memref<200x128xi32, #tpu.memory_space<vmem>> -> memref<1x128xi32, #tpu.memory_space<vmem>>
    %dma_start3A_60 = tpu.memref_squeeze %dma_start3A_59 : memref<1x128xi32, #tpu.memory_space<vmem>> -> memref<128xi32, #tpu.memory_space<vmem>>
    %dma_start3A_61 = arith.constant 0 : i32
    %dma_start3A_62 = arith.constant 0 : i32
    %dma_start3A_63 = tpu.memref_slice %arg3[%dma_start3A_61, %dma_start3A_62] : memref<1000000x32xf32, #tpu.memory_space<hbm>> -> memref<1000000x32xf32, #tpu.memory_space<hbm>>
    tpu.enqueue_indirect_dma source(%dma_start3A_63 : memref<1000000x32xf32, #tpu.memory_space<hbm>>) target(%dma_start3A_57 : memref<128x32xf32, #tpu.memory_space<vmem>>) offsets(%dma_start3A_60 : memref<128xi32, #tpu.memory_space<vmem>>) semaphore(%arg7 : memref<!tpu.dma_semaphore, #tpu.memory_space<semaphore_mem>>)
    %dma_start3A_64 = arith.constant 5 : i32
    %dma_start3A_65 = arith.constant 0 : i32
    %dma_start3A_66 = arith.constant 640 : i32
    %dma_start3A_67 = arith.constant 0 : i32
    %dma_start3A_68 = tpu.memref_slice %arg6[%dma_start3A_65, %dma_start3A_66, %dma_start3A_67] : memref<3x1024x32xf32, #tpu.memory_space<vmem>> -> memref<1x128x32xf32, #tpu.memory_space<vmem>>
    %dma_start3A_69 = tpu.memref_squeeze %dma_start3A_68 : memref<1x128x32xf32, #tpu.memory_space<vmem>> -> memref<128x32xf32, #tpu.memory_space<vmem>>
    %dma_start3A_70 = arith.constant 0 : i32
    %dma_start3A_71 = tpu.memref_slice %arg5[%dma_start3A_64, %dma_start3A_70] : memref<200x128xi32, #tpu.memory_space<vmem>> -> memref<1x128xi32, #tpu.memory_space<vmem>>
    %dma_start3A_72 = tpu.memref_squeeze %dma_start3A_71 : memref<1x128xi32, #tpu.memory_space<vmem>> -> memref<128xi32, #tpu.memory_space<vmem>>
    %dma_start3A_73 = arith.constant 0 : i32
    %dma_start3A_74 = arith.constant 0 : i32
    %dma_start3A_75 = tpu.memref_slice %arg3[%dma_start3A_73, %dma_start3A_74] : memref<1000000x32xf32, #tpu.memory_space<hbm>> -> memref<1000000x32xf32, #tpu.memory_space<hbm>>
    tpu.enqueue_indirect_dma source(%dma_start3A_75 : memref<1000000x32xf32, #tpu.memory_space<hbm>>) target(%dma_start3A_69 : memref<128x32xf32, #tpu.memory_space<vmem>>) offsets(%dma_start3A_72 : memref<128xi32, #tpu.memory_space<vmem>>) semaphore(%arg7 : memref<!tpu.dma_semaphore, #tpu.memory_space<semaphore_mem>>)
    %dma_start3A_76 = arith.constant 6 : i32
    %dma_start3A_77 = arith.constant 0 : i32
    %dma_start3A_78 = arith.constant 768 : i32
    %dma_start3A_79 = arith.constant 0 : i32
    %dma_start3A_80 = tpu.memref_slice %arg6[%dma_start3A_77, %dma_start3A_78, %dma_start3A_79] : memref<3x1024x32xf32, #tpu.memory_space<vmem>> -> memref<1x128x32xf32, #tpu.memory_space<vmem>>
    %dma_start3A_81 = tpu.memref_squeeze %dma_start3A_80 : memref<1x128x32xf32, #tpu.memory_space<vmem>> -> memref<128x32xf32, #tpu.memory_space<vmem>>
    %dma_start3A_82 = arith.constant 0 : i32
    %dma_start3A_83 = tpu.memref_slice %arg5[%dma_start3A_76, %dma_start3A_82] : memref<200x128xi32, #tpu.memory_space<vmem>> -> memref<1x128xi32, #tpu.memory_space<vmem>>
    %dma_start3A_84 = tpu.memref_squeeze %dma_start3A_83 : memref<1x128xi32, #tpu.memory_space<vmem>> -> memref<128xi32, #tpu.memory_space<vmem>>
    %dma_start3A_85 = arith.constant 0 : i32
    %dma_start3A_86 = arith.constant 0 : i32
    %dma_start3A_87 = tpu.memref_slice %arg3[%dma_start3A_85, %dma_start3A_86] : memref<1000000x32xf32, #tpu.memory_space<hbm>> -> memref<1000000x32xf32, #tpu.memory_space<hbm>>
    tpu.enqueue_indirect_dma source(%dma_start3A_87 : memref<1000000x32xf32, #tpu.memory_space<hbm>>) target(%dma_start3A_81 : memref<128x32xf32, #tpu.memory_space<vmem>>) offsets(%dma_start3A_84 : memref<128xi32, #tpu.memory_space<vmem>>) semaphore(%arg7 : memref<!tpu.dma_semaphore, #tpu.memory_space<semaphore_mem>>)
    %dma_start3A_88 = arith.constant 7 : i32
    %dma_start3A_89 = arith.constant 0 : i32
    %dma_start3A_90 = arith.constant 896 : i32
    %dma_start3A_91 = arith.constant 0 : i32
    %dma_start3A_92 = tpu.memref_slice %arg6[%dma_start3A_89, %dma_start3A_90, %dma_start3A_91] : memref<3x1024x32xf32, #tpu.memory_space<vmem>> -> memref<1x128x32xf32, #tpu.memory_space<vmem>>
    %dma_start3A_93 = tpu.memref_squeeze %dma_start3A_92 : memref<1x128x32xf32, #tpu.memory_space<vmem>> -> memref<128x32xf32, #tpu.memory_space<vmem>>
    %dma_start3A_94 = arith.constant 0 : i32
    %dma_start3A_95 = tpu.memref_slice %arg5[%dma_start3A_88, %dma_start3A_94] : memref<200x128xi32, #tpu.memory_space<vmem>> -> memref<1x128xi32, #tpu.memory_space<vmem>>
    %dma_start3A_96 = tpu.memref_squeeze %dma_start3A_95 : memref<1x128xi32, #tpu.memory_space<vmem>> -> memref<128xi32, #tpu.memory_space<vmem>>
    %dma_start3A_97 = arith.constant 0 : i32
    %dma_start3A_98 = arith.constant 0 : i32
    %dma_start3A_99 = tpu.memref_slice %arg3[%dma_start3A_97, %dma_start3A_98] : memref<1000000x32xf32, #tpu.memory_space<hbm>> -> memref<1000000x32xf32, #tpu.memory_space<hbm>>
    tpu.enqueue_indirect_dma source(%dma_start3A_99 : memref<1000000x32xf32, #tpu.memory_space<hbm>>) target(%dma_start3A_93 : memref<128x32xf32, #tpu.memory_space<vmem>>) offsets(%dma_start3A_96 : memref<128xi32, #tpu.memory_space<vmem>>) semaphore(%arg7 : memref<!tpu.dma_semaphore, #tpu.memory_space<semaphore_mem>>)
    %dma_start3A_100 = arith.constant 8 : i32
    %dma_start3A_101 = arith.constant 1 : i32
    %dma_start3A_102 = arith.constant 0 : i32
    %dma_start3A_103 = arith.constant 0 : i32
    %dma_start3A_104 = tpu.memref_slice %arg6[%dma_start3A_101, %dma_start3A_102, %dma_start3A_103] : memref<3x1024x32xf32, #tpu.memory_space<vmem>> -> memref<1x128x32xf32, #tpu.memory_space<vmem>>
    %dma_start3A_105 = tpu.memref_squeeze %dma_start3A_104 : memref<1x128x32xf32, #tpu.memory_space<vmem>> -> memref<128x32xf32, #tpu.memory_space<vmem>>
    %dma_start3A_106 = arith.constant 0 : i32
    %dma_start3A_107 = tpu.memref_slice %arg5[%dma_start3A_100, %dma_start3A_106] : memref<200x128xi32, #tpu.memory_space<vmem>> -> memref<1x128xi32, #tpu.memory_space<vmem>>
    %dma_start3A_108 = tpu.memref_squeeze %dma_start3A_107 : memref<1x128xi32, #tpu.memory_space<vmem>> -> memref<128xi32, #tpu.memory_space<vmem>>
    %dma_start3A_109 = arith.constant 0 : i32
    %dma_start3A_110 = arith.constant 0 : i32
    %dma_start3A_111 = tpu.memref_slice %arg3[%dma_start3A_109, %dma_start3A_110] : memref<1000000x32xf32, #tpu.memory_space<hbm>> -> memref<1000000x32xf32, #tpu.memory_space<hbm>>
    tpu.enqueue_indirect_dma source(%dma_start3A_111 : memref<1000000x32xf32, #tpu.memory_space<hbm>>) target(%dma_start3A_105 : memref<128x32xf32, #tpu.memory_space<vmem>>) offsets(%dma_start3A_108 : memref<128xi32, #tpu.memory_space<vmem>>) semaphore(%arg8 : memref<!tpu.dma_semaphore, #tpu.memory_space<semaphore_mem>>)
    %dma_start3A_112 = arith.constant 9 : i32
    %dma_start3A_113 = arith.constant 1 : i32
    %dma_start3A_114 = arith.constant 128 : i32
    %dma_start3A_115 = arith.constant 0 : i32
    %dma_start3A_116 = tpu.memref_slice %arg6[%dma_start3A_113, %dma_start3A_114, %dma_start3A_115] : memref<3x1024x32xf32, #tpu.memory_space<vmem>> -> memref<1x128x32xf32, #tpu.memory_space<vmem>>
    %dma_start3A_117 = tpu.memref_squeeze %dma_start3A_116 : memref<1x128x32xf32, #tpu.memory_space<vmem>> -> memref<128x32xf32, #tpu.memory_space<vmem>>
    %dma_start3A_118 = arith.constant 0 : i32
    %dma_start3A_119 = tpu.memref_slice %arg5[%dma_start3A_112, %dma_start3A_118] : memref<200x128xi32, #tpu.memory_space<vmem>> -> memref<1x128xi32, #tpu.memory_space<vmem>>
    %dma_start3A_120 = tpu.memref_squeeze %dma_start3A_119 : memref<1x128xi32, #tpu.memory_space<vmem>> -> memref<128xi32, #tpu.memory_space<vmem>>
    %dma_start3A_121 = arith.constant 0 : i32
    %dma_start3A_122 = arith.constant 0 : i32
    %dma_start3A_123 = tpu.memref_slice %arg3[%dma_start3A_121, %dma_start3A_122] : memref<1000000x32xf32, #tpu.memory_space<hbm>> -> memref<1000000x32xf32, #tpu.memory_space<hbm>>
    tpu.enqueue_indirect_dma source(%dma_start3A_123 : memref<1000000x32xf32, #tpu.memory_space<hbm>>) target(%dma_start3A_117 : memref<128x32xf32, #tpu.memory_space<vmem>>) offsets(%dma_start3A_120 : memref<128xi32, #tpu.memory_space<vmem>>) semaphore(%arg8 : memref<!tpu.dma_semaphore, #tpu.memory_space<semaphore_mem>>)
    %dma_start3A_124 = arith.constant 10 : i32
    %dma_start3A_125 = arith.constant 1 : i32
    %dma_start3A_126 = arith.constant 256 : i32
    %dma_start3A_127 = arith.constant 0 : i32
    %dma_start3A_128 = tpu.memref_slice %arg6[%dma_start3A_125, %dma_start3A_126, %dma_start3A_127] : memref<3x1024x32xf32, #tpu.memory_space<vmem>> -> memref<1x128x32xf32, #tpu.memory_space<vmem>>
    %dma_start3A_129 = tpu.memref_squeeze %dma_start3A_128 : memref<1x128x32xf32, #tpu.memory_space<vmem>> -> memref<128x32xf32, #tpu.memory_space<vmem>>
    %dma_start3A_130 = arith.constant 0 : i32
    %dma_start3A_131 = tpu.memref_slice %arg5[%dma_start3A_124, %dma_start3A_130] : memref<200x128xi32, #tpu.memory_space<vmem>> -> memref<1x128xi32, #tpu.memory_space<vmem>>
    %dma_start3A_132 = tpu.memref_squeeze %dma_start3A_131 : memref<1x128xi32, #tpu.memory_space<vmem>> -> memref<128xi32, #tpu.memory_space<vmem>>
    %dma_start3A_133 = arith.constant 0 : i32
    %dma_start3A_134 = arith.constant 0 : i32
    %dma_start3A_135 = tpu.memref_slice %arg3[%dma_start3A_133, %dma_start3A_134] : memref<1000000x32xf32, #tpu.memory_space<hbm>> -> memref<1000000x32xf32, #tpu.memory_space<hbm>>
    tpu.enqueue_indirect_dma source(%dma_start3A_135 : memref<1000000x32xf32, #tpu.memory_space<hbm>>) target(%dma_start3A_129 : memref<128x32xf32, #tpu.memory_space<vmem>>) offsets(%dma_start3A_132 : memref<128xi32, #tpu.memory_space<vmem>>) semaphore(%arg8 : memref<!tpu.dma_semaphore, #tpu.memory_space<semaphore_mem>>)
    %dma_start3A_136 = arith.constant 11 : i32
    %dma_start3A_137 = arith.constant 1 : i32
    %dma_start3A_138 = arith.constant 384 : i32
    %dma_start3A_139 = arith.constant 0 : i32
    %dma_start3A_140 = tpu.memref_slice %arg6[%dma_start3A_137, %dma_start3A_138, %dma_start3A_139] : memref<3x1024x32xf32, #tpu.memory_space<vmem>> -> memref<1x128x32xf32, #tpu.memory_space<vmem>>
    %dma_start3A_141 = tpu.memref_squeeze %dma_start3A_140 : memref<1x128x32xf32, #tpu.memory_space<vmem>> -> memref<128x32xf32, #tpu.memory_space<vmem>>
    %dma_start3A_142 = arith.constant 0 : i32
    %dma_start3A_143 = tpu.memref_slice %arg5[%dma_start3A_136, %dma_start3A_142] : memref<200x128xi32, #tpu.memory_space<vmem>> -> memref<1x128xi32, #tpu.memory_space<vmem>>
    %dma_start3A_144 = tpu.memref_squeeze %dma_start3A_143 : memref<1x128xi32, #tpu.memory_space<vmem>> -> memref<128xi32, #tpu.memory_space<vmem>>
    %dma_start3A_145 = arith.constant 0 : i32
    %dma_start3A_146 = arith.constant 0 : i32
    %dma_start3A_147 = tpu.memref_slice %arg3[%dma_start3A_145, %dma_start3A_146] : memref<1000000x32xf32, #tpu.memory_space<hbm>> -> memref<1000000x32xf32, #tpu.memory_space<hbm>>
    tpu.enqueue_indirect_dma source(%dma_start3A_147 : memref<1000000x32xf32, #tpu.memory_space<hbm>>) target(%dma_start3A_141 : memref<128x32xf32, #tpu.memory_space<vmem>>) offsets(%dma_start3A_144 : memref<128xi32, #tpu.memory_space<vmem>>) semaphore(%arg8 : memref<!tpu.dma_semaphore, #tpu.memory_space<semaphore_mem>>)
    %dma_start3A_148 = arith.constant 12 : i32
    %dma_start3A_149 = arith.constant 1 : i32
    %dma_start3A_150 = arith.constant 512 : i32
    %dma_start3A_151 = arith.constant 0 : i32
    %dma_start3A_152 = tpu.memref_slice %arg6[%dma_start3A_149, %dma_start3A_150, %dma_start3A_151] : memref<3x1024x32xf32, #tpu.memory_space<vmem>> -> memref<1x128x32xf32, #tpu.memory_space<vmem>>
    %dma_start3A_153 = tpu.memref_squeeze %dma_start3A_152 : memref<1x128x32xf32, #tpu.memory_space<vmem>> -> memref<128x32xf32, #tpu.memory_space<vmem>>
    %dma_start3A_154 = arith.constant 0 : i32
    %dma_start3A_155 = tpu.memref_slice %arg5[%dma_start3A_148, %dma_start3A_154] : memref<200x128xi32, #tpu.memory_space<vmem>> -> memref<1x128xi32, #tpu.memory_space<vmem>>
    %dma_start3A_156 = tpu.memref_squeeze %dma_start3A_155 : memref<1x128xi32, #tpu.memory_space<vmem>> -> memref<128xi32, #tpu.memory_space<vmem>>
    %dma_start3A_157 = arith.constant 0 : i32
    %dma_start3A_158 = arith.constant 0 : i32
    %dma_start3A_159 = tpu.memref_slice %arg3[%dma_start3A_157, %dma_start3A_158] : memref<1000000x32xf32, #tpu.memory_space<hbm>> -> memref<1000000x32xf32, #tpu.memory_space<hbm>>
    tpu.enqueue_indirect_dma source(%dma_start3A_159 : memref<1000000x32xf32, #tpu.memory_space<hbm>>) target(%dma_start3A_153 : memref<128x32xf32, #tpu.memory_space<vmem>>) offsets(%dma_start3A_156 : memref<128xi32, #tpu.memory_space<vmem>>) semaphore(%arg8 : memref<!tpu.dma_semaphore, #tpu.memory_space<semaphore_mem>>)
    %dma_start3A_160 = arith.constant 13 : i32
    %dma_start3A_161 = arith.constant 1 : i32
    %dma_start3A_162 = arith.constant 640 : i32
    %dma_start3A_163 = arith.constant 0 : i32
    %dma_start3A_164 = tpu.memref_slice %arg6[%dma_start3A_161, %dma_start3A_162, %dma_start3A_163] : memref<3x1024x32xf32, #tpu.memory_space<vmem>> -> memref<1x128x32xf32, #tpu.memory_space<vmem>>
    %dma_start3A_165 = tpu.memref_squeeze %dma_start3A_164 : memref<1x128x32xf32, #tpu.memory_space<vmem>> -> memref<128x32xf32, #tpu.memory_space<vmem>>
    %dma_start3A_166 = arith.constant 0 : i32
    %dma_start3A_167 = tpu.memref_slice %arg5[%dma_start3A_160, %dma_start3A_166] : memref<200x128xi32, #tpu.memory_space<vmem>> -> memref<1x128xi32, #tpu.memory_space<vmem>>
    %dma_start3A_168 = tpu.memref_squeeze %dma_start3A_167 : memref<1x128xi32, #tpu.memory_space<vmem>> -> memref<128xi32, #tpu.memory_space<vmem>>
    %dma_start3A_169 = arith.constant 0 : i32
    %dma_start3A_170 = arith.constant 0 : i32
    %dma_start3A_171 = tpu.memref_slice %arg3[%dma_start3A_169, %dma_start3A_170] : memref<1000000x32xf32, #tpu.memory_space<hbm>> -> memref<1000000x32xf32, #tpu.memory_space<hbm>>
    tpu.enqueue_indirect_dma source(%dma_start3A_171 : memref<1000000x32xf32, #tpu.memory_space<hbm>>) target(%dma_start3A_165 : memref<128x32xf32, #tpu.memory_space<vmem>>) offsets(%dma_start3A_168 : memref<128xi32, #tpu.memory_space<vmem>>) semaphore(%arg8 : memref<!tpu.dma_semaphore, #tpu.memory_space<semaphore_mem>>)
    %dma_start3A_172 = arith.constant 14 : i32
    %dma_start3A_173 = arith.constant 1 : i32
    %dma_start3A_174 = arith.constant 768 : i32
    %dma_start3A_175 = arith.constant 0 : i32
    %dma_start3A_176 = tpu.memref_slice %arg6[%dma_start3A_173, %dma_start3A_174, %dma_start3A_175] : memref<3x1024x32xf32, #tpu.memory_space<vmem>> -> memref<1x128x32xf32, #tpu.memory_space<vmem>>
    %dma_start3A_177 = tpu.memref_squeeze %dma_start3A_176 : memref<1x128x32xf32, #tpu.memory_space<vmem>> -> memref<128x32xf32, #tpu.memory_space<vmem>>
    %dma_start3A_178 = arith.constant 0 : i32
    %dma_start3A_179 = tpu.memref_slice %arg5[%dma_start3A_172, %dma_start3A_178] : memref<200x128xi32, #tpu.memory_space<vmem>> -> memref<1x128xi32, #tpu.memory_space<vmem>>
    %dma_start3A_180 = tpu.memref_squeeze %dma_start3A_179 : memref<1x128xi32, #tpu.memory_space<vmem>> -> memref<128xi32, #tpu.memory_space<vmem>>
    %dma_start3A_181 = arith.constant 0 : i32
    %dma_start3A_182 = arith.constant 0 : i32
    %dma_start3A_183 = tpu.memref_slice %arg3[%dma_start3A_181, %dma_start3A_182] : memref<1000000x32xf32, #tpu.memory_space<hbm>> -> memref<1000000x32xf32, #tpu.memory_space<hbm>>
    tpu.enqueue_indirect_dma source(%dma_start3A_183 : memref<1000000x32xf32, #tpu.memory_space<hbm>>) target(%dma_start3A_177 : memref<128x32xf32, #tpu.memory_space<vmem>>) offsets(%dma_start3A_180 : memref<128xi32, #tpu.memory_space<vmem>>) semaphore(%arg8 : memref<!tpu.dma_semaphore, #tpu.memory_space<semaphore_mem>>)
    %dma_start3A_184 = arith.constant 15 : i32
    %dma_start3A_185 = arith.constant 1 : i32
    %dma_start3A_186 = arith.constant 896 : i32
    %dma_start3A_187 = arith.constant 0 : i32
    %dma_start3A_188 = tpu.memref_slice %arg6[%dma_start3A_185, %dma_start3A_186, %dma_start3A_187] : memref<3x1024x32xf32, #tpu.memory_space<vmem>> -> memref<1x128x32xf32, #tpu.memory_space<vmem>>
    %dma_start3A_189 = tpu.memref_squeeze %dma_start3A_188 : memref<1x128x32xf32, #tpu.memory_space<vmem>> -> memref<128x32xf32, #tpu.memory_space<vmem>>
    %dma_start3A_190 = arith.constant 0 : i32
    %dma_start3A_191 = tpu.memref_slice %arg5[%dma_start3A_184, %dma_start3A_190] : memref<200x128xi32, #tpu.memory_space<vmem>> -> memref<1x128xi32, #tpu.memory_space<vmem>>
    %dma_start3A_192 = tpu.memref_squeeze %dma_start3A_191 : memref<1x128xi32, #tpu.memory_space<vmem>> -> memref<128xi32, #tpu.memory_space<vmem>>
    %dma_start3A_193 = arith.constant 0 : i32
    %dma_start3A_194 = arith.constant 0 : i32
    %dma_start3A_195 = tpu.memref_slice %arg3[%dma_start3A_193, %dma_start3A_194] : memref<1000000x32xf32, #tpu.memory_space<hbm>> -> memref<1000000x32xf32, #tpu.memory_space<hbm>>
    tpu.enqueue_indirect_dma source(%dma_start3A_195 : memref<1000000x32xf32, #tpu.memory_space<hbm>>) target(%dma_start3A_189 : memref<128x32xf32, #tpu.memory_space<vmem>>) offsets(%dma_start3A_192 : memref<128xi32, #tpu.memory_space<vmem>>) semaphore(%arg8 : memref<!tpu.dma_semaphore, #tpu.memory_space<semaphore_mem>>)
    %dma_wait3A = arith.constant 0 : i32
    %dma_wait3A_196 = arith.constant 0 : i32
    %dma_wait3A_197 = arith.constant 0 : i32
    %dma_wait3A_198 = tpu.memref_slice %arg6[%dma_wait3A, %dma_wait3A_196, %dma_wait3A_197] : memref<3x1024x32xf32, #tpu.memory_space<vmem>> -> memref<1x1024x32xf32, #tpu.memory_space<vmem>>
    %dma_wait3A_199 = tpu.memref_squeeze %dma_wait3A_198 : memref<1x1024x32xf32, #tpu.memory_space<vmem>> -> memref<1024x32xf32, #tpu.memory_space<vmem>>
    %dma_wait3A_200 = arith.constant 0 : i32
    %dma_wait3A_201 = arith.constant 0 : i32
    %dma_wait3A_202 = tpu.memref_slice %arg4[%dma_wait3A_200, %dma_wait3A_201] : memref<819200x32xf32, #tpu.memory_space<hbm>> -> memref<1024x32xf32, #tpu.memory_space<hbm>>
    %dma_wait3A_203 = arith.constant 0 : i32
    %dma_wait3A_204 = arith.constant 0 : i32
    %dma_wait3A_205 = tpu.memref_slice %arg6[%dma_wait3A, %dma_wait3A_203, %dma_wait3A_204] : memref<3x1024x32xf32, #tpu.memory_space<vmem>> -> memref<1x1024x32xf32, #tpu.memory_space<vmem>>
    %dma_wait3A_206 = tpu.memref_squeeze %dma_wait3A_205 : memref<1x1024x32xf32, #tpu.memory_space<vmem>> -> memref<1024x32xf32, #tpu.memory_space<vmem>>
    %dma_wait3A_207 = arith.constant 0 : i32
    %dma_wait3A_208 = arith.constant 0 : i32
    %dma_wait3A_209 = tpu.memref_slice %arg4[%dma_wait3A_207, %dma_wait3A_208] : memref<819200x32xf32, #tpu.memory_space<hbm>> -> memref<1024x32xf32, #tpu.memory_space<hbm>>
    tpu.wait_dma2 semaphore(%arg7 : memref<!tpu.dma_semaphore, #tpu.memory_space<semaphore_mem>>) src(%dma_wait3A_209 : memref<1024x32xf32, #tpu.memory_space<hbm>>) dst(%dma_wait3A_206 : memref<1024x32xf32, #tpu.memory_space<vmem>>)
    %add3A_210 = arith.constant 0 : i32
    %add3A_211 = arith.addi %mul3A_4, %add3A_210 : i32
    %dma_start3A_212 = arith.constant 0 : i32
    %dma_start3A_213 = arith.constant 0 : i32
    %dma_start3A_214 = arith.constant 0 : i32
    %dma_start3A_215 = tpu.memref_slice %arg6[%dma_start3A_212, %dma_start3A_213, %dma_start3A_214] : memref<3x1024x32xf32, #tpu.memory_space<vmem>> -> memref<1x1024x32xf32, #tpu.memory_space<vmem>>
    %dma_start3A_216 = tpu.memref_squeeze %dma_start3A_215 : memref<1x1024x32xf32, #tpu.memory_space<vmem>> -> memref<1024x32xf32, #tpu.memory_space<vmem>>
    %dma_start3A_217 = arith.constant 0 : i32
    %dma_start3A_218 = tpu.memref_slice %arg4[%add3A_211, %dma_start3A_217] : memref<819200x32xf32, #tpu.memory_space<hbm>> -> memref<1024x32xf32, #tpu.memory_space<hbm>>
    %dma_start3A_219 = arith.constant 0 : i32
    %dma_start3A_220 = tpu.memref_slice %arg4[%add3A_211, %dma_start3A_219] : memref<819200x32xf32, #tpu.memory_space<hbm>> -> memref<1024x32xf32, #tpu.memory_space<hbm>>
    %dma_start3A_221 = arith.constant 0 : i32
    %dma_start3A_222 = arith.constant 0 : i32
    %dma_start3A_223 = tpu.memref_slice %arg6[%dma_start3A_212, %dma_start3A_221, %dma_start3A_222] : memref<3x1024x32xf32, #tpu.memory_space<vmem>> -> memref<1x1024x32xf32, #tpu.memory_space<vmem>>
    %dma_start3A_224 = tpu.memref_squeeze %dma_start3A_223 : memref<1x1024x32xf32, #tpu.memory_space<vmem>> -> memref<1024x32xf32, #tpu.memory_space<vmem>>
    tpu.enqueue_dma source(%dma_start3A_224 : memref<1024x32xf32, #tpu.memory_space<vmem>>) target(%dma_start3A_220 : memref<1024x32xf32, #tpu.memory_space<hbm>>) target_semaphore(%arg10 : memref<!tpu.dma_semaphore, #tpu.memory_space<semaphore_mem>>)
    %dma_start3A_225 = arith.constant 16 : i32
    %dma_start3A_226 = arith.constant 2 : i32
    %dma_start3A_227 = arith.constant 0 : i32
    %dma_start3A_228 = arith.constant 0 : i32
    %dma_start3A_229 = tpu.memref_slice %arg6[%dma_start3A_226, %dma_start3A_227, %dma_start3A_228] : memref<3x1024x32xf32, #tpu.memory_space<vmem>> -> memref<1x128x32xf32, #tpu.memory_space<vmem>>
    %dma_start3A_230 = tpu.memref_squeeze %dma_start3A_229 : memref<1x128x32xf32, #tpu.memory_space<vmem>> -> memref<128x32xf32, #tpu.memory_space<vmem>>
    %dma_start3A_231 = arith.constant 0 : i32
    %dma_start3A_232 = tpu.memref_slice %arg5[%dma_start3A_225, %dma_start3A_231] : memref<200x128xi32, #tpu.memory_space<vmem>> -> memref<1x128xi32, #tpu.memory_space<vmem>>
    %dma_start3A_233 = tpu.memref_squeeze %dma_start3A_232 : memref<1x128xi32, #tpu.memory_space<vmem>> -> memref<128xi32, #tpu.memory_space<vmem>>
    %dma_start3A_234 = arith.constant 0 : i32
    %dma_start3A_235 = arith.constant 0 : i32
    %dma_start3A_236 = tpu.memref_slice %arg3[%dma_start3A_234, %dma_start3A_235] : memref<1000000x32xf32, #tpu.memory_space<hbm>> -> memref<1000000x32xf32, #tpu.memory_space<hbm>>
    tpu.enqueue_indirect_dma source(%dma_start3A_236 : memref<1000000x32xf32, #tpu.memory_space<hbm>>) target(%dma_start3A_230 : memref<128x32xf32, #tpu.memory_space<vmem>>) offsets(%dma_start3A_233 : memref<128xi32, #tpu.memory_space<vmem>>) semaphore(%arg9 : memref<!tpu.dma_semaphore, #tpu.memory_space<semaphore_mem>>)
    %dma_start3A_237 = arith.constant 17 : i32
    %dma_start3A_238 = arith.constant 2 : i32
    %dma_start3A_239 = arith.constant 128 : i32
    %dma_start3A_240 = arith.constant 0 : i32
    %dma_start3A_241 = tpu.memref_slice %arg6[%dma_start3A_238, %dma_start3A_239, %dma_start3A_240] : memref<3x1024x32xf32, #tpu.memory_space<vmem>> -> memref<1x128x32xf32, #tpu.memory_space<vmem>>
    %dma_start3A_242 = tpu.memref_squeeze %dma_start3A_241 : memref<1x128x32xf32, #tpu.memory_space<vmem>> -> memref<128x32xf32, #tpu.memory_space<vmem>>
    %dma_start3A_243 = arith.constant 0 : i32
    %dma_start3A_244 = tpu.memref_slice %arg5[%dma_start3A_237, %dma_start3A_243] : memref<200x128xi32, #tpu.memory_space<vmem>> -> memref<1x128xi32, #tpu.memory_space<vmem>>
    %dma_start3A_245 = tpu.memref_squeeze %dma_start3A_244 : memref<1x128xi32, #tpu.memory_space<vmem>> -> memref<128xi32, #tpu.memory_space<vmem>>
    %dma_start3A_246 = arith.constant 0 : i32
    %dma_start3A_247 = arith.constant 0 : i32
    %dma_start3A_248 = tpu.memref_slice %arg3[%dma_start3A_246, %dma_start3A_247] : memref<1000000x32xf32, #tpu.memory_space<hbm>> -> memref<1000000x32xf32, #tpu.memory_space<hbm>>
    tpu.enqueue_indirect_dma source(%dma_start3A_248 : memref<1000000x32xf32, #tpu.memory_space<hbm>>) target(%dma_start3A_242 : memref<128x32xf32, #tpu.memory_space<vmem>>) offsets(%dma_start3A_245 : memref<128xi32, #tpu.memory_space<vmem>>) semaphore(%arg9 : memref<!tpu.dma_semaphore, #tpu.memory_space<semaphore_mem>>)
    %dma_start3A_249 = arith.constant 18 : i32
    %dma_start3A_250 = arith.constant 2 : i32
    %dma_start3A_251 = arith.constant 256 : i32
    %dma_start3A_252 = arith.constant 0 : i32
    %dma_start3A_253 = tpu.memref_slice %arg6[%dma_start3A_250, %dma_start3A_251, %dma_start3A_252] : memref<3x1024x32xf32, #tpu.memory_space<vmem>> -> memref<1x128x32xf32, #tpu.memory_space<vmem>>
    %dma_start3A_254 = tpu.memref_squeeze %dma_start3A_253 : memref<1x128x32xf32, #tpu.memory_space<vmem>> -> memref<128x32xf32, #tpu.memory_space<vmem>>
    %dma_start3A_255 = arith.constant 0 : i32
    %dma_start3A_256 = tpu.memref_slice %arg5[%dma_start3A_249, %dma_start3A_255] : memref<200x128xi32, #tpu.memory_space<vmem>> -> memref<1x128xi32, #tpu.memory_space<vmem>>
    %dma_start3A_257 = tpu.memref_squeeze %dma_start3A_256 : memref<1x128xi32, #tpu.memory_space<vmem>> -> memref<128xi32, #tpu.memory_space<vmem>>
    %dma_start3A_258 = arith.constant 0 : i32
    %dma_start3A_259 = arith.constant 0 : i32
    %dma_start3A_260 = tpu.memref_slice %arg3[%dma_start3A_258, %dma_start3A_259] : memref<1000000x32xf32, #tpu.memory_space<hbm>> -> memref<1000000x32xf32, #tpu.memory_space<hbm>>
    tpu.enqueue_indirect_dma source(%dma_start3A_260 : memref<1000000x32xf32, #tpu.memory_space<hbm>>) target(%dma_start3A_254 : memref<128x32xf32, #tpu.memory_space<vmem>>) offsets(%dma_start3A_257 : memref<128xi32, #tpu.memory_space<vmem>>) semaphore(%arg9 : memref<!tpu.dma_semaphore, #tpu.memory_space<semaphore_mem>>)
    %dma_start3A_261 = arith.constant 19 : i32
    %dma_start3A_262 = arith.constant 2 : i32
    %dma_start3A_263 = arith.constant 384 : i32
    %dma_start3A_264 = arith.constant 0 : i32
    %dma_start3A_265 = tpu.memref_slice %arg6[%dma_start3A_262, %dma_start3A_263, %dma_start3A_264] : memref<3x1024x32xf32, #tpu.memory_space<vmem>> -> memref<1x128x32xf32, #tpu.memory_space<vmem>>
    %dma_start3A_266 = tpu.memref_squeeze %dma_start3A_265 : memref<1x128x32xf32, #tpu.memory_space<vmem>> -> memref<128x32xf32, #tpu.memory_space<vmem>>
    %dma_start3A_267 = arith.constant 0 : i32
    %dma_start3A_268 = tpu.memref_slice %arg5[%dma_start3A_261, %dma_start3A_267] : memref<200x128xi32, #tpu.memory_space<vmem>> -> memref<1x128xi32, #tpu.memory_space<vmem>>
    %dma_start3A_269 = tpu.memref_squeeze %dma_start3A_268 : memref<1x128xi32, #tpu.memory_space<vmem>> -> memref<128xi32, #tpu.memory_space<vmem>>
    %dma_start3A_270 = arith.constant 0 : i32
    %dma_start3A_271 = arith.constant 0 : i32
    %dma_start3A_272 = tpu.memref_slice %arg3[%dma_start3A_270, %dma_start3A_271] : memref<1000000x32xf32, #tpu.memory_space<hbm>> -> memref<1000000x32xf32, #tpu.memory_space<hbm>>
    tpu.enqueue_indirect_dma source(%dma_start3A_272 : memref<1000000x32xf32, #tpu.memory_space<hbm>>) target(%dma_start3A_266 : memref<128x32xf32, #tpu.memory_space<vmem>>) offsets(%dma_start3A_269 : memref<128xi32, #tpu.memory_space<vmem>>) semaphore(%arg9 : memref<!tpu.dma_semaphore, #tpu.memory_space<semaphore_mem>>)
    %dma_start3A_273 = arith.constant 20 : i32
    %dma_start3A_274 = arith.constant 2 : i32
    %dma_start3A_275 = arith.constant 512 : i32
    %dma_start3A_276 = arith.constant 0 : i32
    %dma_start3A_277 = tpu.memref_slice %arg6[%dma_start3A_274, %dma_start3A_275, %dma_start3A_276] : memref<3x1024x32xf32, #tpu.memory_space<vmem>> -> memref<1x128x32xf32, #tpu.memory_space<vmem>>
    %dma_start3A_278 = tpu.memref_squeeze %dma_start3A_277 : memref<1x128x32xf32, #tpu.memory_space<vmem>> -> memref<128x32xf32, #tpu.memory_space<vmem>>
    %dma_start3A_279 = arith.constant 0 : i32
    %dma_start3A_280 = tpu.memref_slice %arg5[%dma_start3A_273, %dma_start3A_279] : memref<200x128xi32, #tpu.memory_space<vmem>> -> memref<1x128xi32, #tpu.memory_space<vmem>>
    %dma_start3A_281 = tpu.memref_squeeze %dma_start3A_280 : memref<1x128xi32, #tpu.memory_space<vmem>> -> memref<128xi32, #tpu.memory_space<vmem>>
    %dma_start3A_282 = arith.constant 0 : i32
    %dma_start3A_283 = arith.constant 0 : i32
    %dma_start3A_284 = tpu.memref_slice %arg3[%dma_start3A_282, %dma_start3A_283] : memref<1000000x32xf32, #tpu.memory_space<hbm>> -> memref<1000000x32xf32, #tpu.memory_space<hbm>>
    tpu.enqueue_indirect_dma source(%dma_start3A_284 : memref<1000000x32xf32, #tpu.memory_space<hbm>>) target(%dma_start3A_278 : memref<128x32xf32, #tpu.memory_space<vmem>>) offsets(%dma_start3A_281 : memref<128xi32, #tpu.memory_space<vmem>>) semaphore(%arg9 : memref<!tpu.dma_semaphore, #tpu.memory_space<semaphore_mem>>)
    %dma_start3A_285 = arith.constant 21 : i32
    %dma_start3A_286 = arith.constant 2 : i32
    %dma_start3A_287 = arith.constant 640 : i32
    %dma_start3A_288 = arith.constant 0 : i32
    %dma_start3A_289 = tpu.memref_slice %arg6[%dma_start3A_286, %dma_start3A_287, %dma_start3A_288] : memref<3x1024x32xf32, #tpu.memory_space<vmem>> -> memref<1x128x32xf32, #tpu.memory_space<vmem>>
    %dma_start3A_290 = tpu.memref_squeeze %dma_start3A_289 : memref<1x128x32xf32, #tpu.memory_space<vmem>> -> memref<128x32xf32, #tpu.memory_space<vmem>>
    %dma_start3A_291 = arith.constant 0 : i32
    %dma_start3A_292 = tpu.memref_slice %arg5[%dma_start3A_285, %dma_start3A_291] : memref<200x128xi32, #tpu.memory_space<vmem>> -> memref<1x128xi32, #tpu.memory_space<vmem>>
    %dma_start3A_293 = tpu.memref_squeeze %dma_start3A_292 : memref<1x128xi32, #tpu.memory_space<vmem>> -> memref<128xi32, #tpu.memory_space<vmem>>
    %dma_start3A_294 = arith.constant 0 : i32
    %dma_start3A_295 = arith.constant 0 : i32
    %dma_start3A_296 = tpu.memref_slice %arg3[%dma_start3A_294, %dma_start3A_295] : memref<1000000x32xf32, #tpu.memory_space<hbm>> -> memref<1000000x32xf32, #tpu.memory_space<hbm>>
    tpu.enqueue_indirect_dma source(%dma_start3A_296 : memref<1000000x32xf32, #tpu.memory_space<hbm>>) target(%dma_start3A_290 : memref<128x32xf32, #tpu.memory_space<vmem>>) offsets(%dma_start3A_293 : memref<128xi32, #tpu.memory_space<vmem>>) semaphore(%arg9 : memref<!tpu.dma_semaphore, #tpu.memory_space<semaphore_mem>>)
    %dma_start3A_297 = arith.constant 22 : i32
    %dma_start3A_298 = arith.constant 2 : i32
    %dma_start3A_299 = arith.constant 768 : i32
    %dma_start3A_300 = arith.constant 0 : i32
    %dma_start3A_301 = tpu.memref_slice %arg6[%dma_start3A_298, %dma_start3A_299, %dma_start3A_300] : memref<3x1024x32xf32, #tpu.memory_space<vmem>> -> memref<1x128x32xf32, #tpu.memory_space<vmem>>
    %dma_start3A_302 = tpu.memref_squeeze %dma_start3A_301 : memref<1x128x32xf32, #tpu.memory_space<vmem>> -> memref<128x32xf32, #tpu.memory_space<vmem>>
    %dma_start3A_303 = arith.constant 0 : i32
    %dma_start3A_304 = tpu.memref_slice %arg5[%dma_start3A_297, %dma_start3A_303] : memref<200x128xi32, #tpu.memory_space<vmem>> -> memref<1x128xi32, #tpu.memory_space<vmem>>
    %dma_start3A_305 = tpu.memref_squeeze %dma_start3A_304 : memref<1x128xi32, #tpu.memory_space<vmem>> -> memref<128xi32, #tpu.memory_space<vmem>>
    %dma_start3A_306 = arith.constant 0 : i32
    %dma_start3A_307 = arith.constant 0 : i32
    %dma_start3A_308 = tpu.memref_slice %arg3[%dma_start3A_306, %dma_start3A_307] : memref<1000000x32xf32, #tpu.memory_space<hbm>> -> memref<1000000x32xf32, #tpu.memory_space<hbm>>
    tpu.enqueue_indirect_dma source(%dma_start3A_308 : memref<1000000x32xf32, #tpu.memory_space<hbm>>) target(%dma_start3A_302 : memref<128x32xf32, #tpu.memory_space<vmem>>) offsets(%dma_start3A_305 : memref<128xi32, #tpu.memory_space<vmem>>) semaphore(%arg9 : memref<!tpu.dma_semaphore, #tpu.memory_space<semaphore_mem>>)
    %dma_start3A_309 = arith.constant 23 : i32
    %dma_start3A_310 = arith.constant 2 : i32
    %dma_start3A_311 = arith.constant 896 : i32
    %dma_start3A_312 = arith.constant 0 : i32
    %dma_start3A_313 = tpu.memref_slice %arg6[%dma_start3A_310, %dma_start3A_311, %dma_start3A_312] : memref<3x1024x32xf32, #tpu.memory_space<vmem>> -> memref<1x128x32xf32, #tpu.memory_space<vmem>>
    %dma_start3A_314 = tpu.memref_squeeze %dma_start3A_313 : memref<1x128x32xf32, #tpu.memory_space<vmem>> -> memref<128x32xf32, #tpu.memory_space<vmem>>
    %dma_start3A_315 = arith.constant 0 : i32
    %dma_start3A_316 = tpu.memref_slice %arg5[%dma_start3A_309, %dma_start3A_315] : memref<200x128xi32, #tpu.memory_space<vmem>> -> memref<1x128xi32, #tpu.memory_space<vmem>>
    %dma_start3A_317 = tpu.memref_squeeze %dma_start3A_316 : memref<1x128xi32, #tpu.memory_space<vmem>> -> memref<128xi32, #tpu.memory_space<vmem>>
    %dma_start3A_318 = arith.constant 0 : i32
    %dma_start3A_319 = arith.constant 0 : i32
    %dma_start3A_320 = tpu.memref_slice %arg3[%dma_start3A_318, %dma_start3A_319] : memref<1000000x32xf32, #tpu.memory_space<hbm>> -> memref<1000000x32xf32, #tpu.memory_space<hbm>>
    tpu.enqueue_indirect_dma source(%dma_start3A_320 : memref<1000000x32xf32, #tpu.memory_space<hbm>>) target(%dma_start3A_314 : memref<128x32xf32, #tpu.memory_space<vmem>>) offsets(%dma_start3A_317 : memref<128xi32, #tpu.memory_space<vmem>>) semaphore(%arg9 : memref<!tpu.dma_semaphore, #tpu.memory_space<semaphore_mem>>)
    %dma_wait3A_321 = arith.constant 1 : i32
    %dma_wait3A_322 = arith.constant 0 : i32
    %dma_wait3A_323 = arith.constant 0 : i32
    %dma_wait3A_324 = tpu.memref_slice %arg6[%dma_wait3A_321, %dma_wait3A_322, %dma_wait3A_323] : memref<3x1024x32xf32, #tpu.memory_space<vmem>> -> memref<1x1024x32xf32, #tpu.memory_space<vmem>>
    %dma_wait3A_325 = tpu.memref_squeeze %dma_wait3A_324 : memref<1x1024x32xf32, #tpu.memory_space<vmem>> -> memref<1024x32xf32, #tpu.memory_space<vmem>>
    %dma_wait3A_326 = arith.constant 0 : i32
    %dma_wait3A_327 = arith.constant 0 : i32
    %dma_wait3A_328 = tpu.memref_slice %arg4[%dma_wait3A_326, %dma_wait3A_327] : memref<819200x32xf32, #tpu.memory_space<hbm>> -> memref<1024x32xf32, #tpu.memory_space<hbm>>
    %dma_wait3A_329 = arith.constant 0 : i32
    %dma_wait3A_330 = arith.constant 0 : i32
    %dma_wait3A_331 = tpu.memref_slice %arg6[%dma_wait3A_321, %dma_wait3A_329, %dma_wait3A_330] : memref<3x1024x32xf32, #tpu.memory_space<vmem>> -> memref<1x1024x32xf32, #tpu.memory_space<vmem>>
    %dma_wait3A_332 = tpu.memref_squeeze %dma_wait3A_331 : memref<1x1024x32xf32, #tpu.memory_space<vmem>> -> memref<1024x32xf32, #tpu.memory_space<vmem>>
    %dma_wait3A_333 = arith.constant 0 : i32
    %dma_wait3A_334 = arith.constant 0 : i32
    %dma_wait3A_335 = tpu.memref_slice %arg4[%dma_wait3A_333, %dma_wait3A_334] : memref<819200x32xf32, #tpu.memory_space<hbm>> -> memref<1024x32xf32, #tpu.memory_space<hbm>>
    tpu.wait_dma2 semaphore(%arg8 : memref<!tpu.dma_semaphore, #tpu.memory_space<semaphore_mem>>) src(%dma_wait3A_335 : memref<1024x32xf32, #tpu.memory_space<hbm>>) dst(%dma_wait3A_332 : memref<1024x32xf32, #tpu.memory_space<vmem>>)
    %add3A_336 = arith.constant 1024 : i32
    %add3A_337 = arith.addi %mul3A_4, %add3A_336 : i32
    %dma_start3A_338 = arith.constant 1 : i32
    %dma_start3A_339 = arith.constant 0 : i32
    %dma_start3A_340 = arith.constant 0 : i32
    %dma_start3A_341 = tpu.memref_slice %arg6[%dma_start3A_338, %dma_start3A_339, %dma_start3A_340] : memref<3x1024x32xf32, #tpu.memory_space<vmem>> -> memref<1x1024x32xf32, #tpu.memory_space<vmem>>
    %dma_start3A_342 = tpu.memref_squeeze %dma_start3A_341 : memref<1x1024x32xf32, #tpu.memory_space<vmem>> -> memref<1024x32xf32, #tpu.memory_space<vmem>>
    %dma_start3A_343 = arith.constant 0 : i32
    %dma_start3A_344 = tpu.memref_slice %arg4[%add3A_337, %dma_start3A_343] : memref<819200x32xf32, #tpu.memory_space<hbm>> -> memref<1024x32xf32, #tpu.memory_space<hbm>>
    %dma_start3A_345 = arith.constant 0 : i32
    %dma_start3A_346 = tpu.memref_slice %arg4[%add3A_337, %dma_start3A_345] : memref<819200x32xf32, #tpu.memory_space<hbm>> -> memref<1024x32xf32, #tpu.memory_space<hbm>>
    %dma_start3A_347 = arith.constant 0 : i32
    %dma_start3A_348 = arith.constant 0 : i32
    %dma_start3A_349 = tpu.memref_slice %arg6[%dma_start3A_338, %dma_start3A_347, %dma_start3A_348] : memref<3x1024x32xf32, #tpu.memory_space<vmem>> -> memref<1x1024x32xf32, #tpu.memory_space<vmem>>
    %dma_start3A_350 = tpu.memref_squeeze %dma_start3A_349 : memref<1x1024x32xf32, #tpu.memory_space<vmem>> -> memref<1024x32xf32, #tpu.memory_space<vmem>>
    tpu.enqueue_dma source(%dma_start3A_350 : memref<1024x32xf32, #tpu.memory_space<vmem>>) target(%dma_start3A_346 : memref<1024x32xf32, #tpu.memory_space<hbm>>) target_semaphore(%arg11 : memref<!tpu.dma_semaphore, #tpu.memory_space<semaphore_mem>>)
    %scan3A = arith.constant 0 : i32
    %scan3A_351 = arith.constant 7 : i32
    %scan3A_352 = arith.addi %scan3A, %scan3A_351 : i32
    %scan3A_353 = arith.constant 1 : i32
    scf.for %scan3A_571 = %scan3A to %scan3A_352 step %scan3A_353  : i32 {
      %mul3A_572 = arith.constant 1 : i32
      %mul3A_573 = arith.muli %scan3A_571, %mul3A_572 : i32
      %add3A_574 = arith.constant 0 : i32
      %add3A_575 = arith.addi %add3A_574, %mul3A_573 : i32
      %mul3A_576 = arith.constant 3 : i32
      %mul3A_577 = arith.muli %mul3A_576, %add3A_575 : i32
      %add3A_578 = arith.constant 2 : i32
      %add3A_579 = arith.addi %add3A_578, %mul3A_577 : i32
      %dma_wait3A_580 = arith.constant 0 : i32
      %dma_wait3A_581 = arith.constant 0 : i32
      %dma_wait3A_582 = arith.constant 0 : i32
      %dma_wait3A_583 = tpu.memref_slice %arg6[%dma_wait3A_580, %dma_wait3A_581, %dma_wait3A_582] : memref<3x1024x32xf32, #tpu.memory_space<vmem>> -> memref<1x1024x32xf32, #tpu.memory_space<vmem>>
      %dma_wait3A_584 = tpu.memref_squeeze %dma_wait3A_583 : memref<1x1024x32xf32, #tpu.memory_space<vmem>> -> memref<1024x32xf32, #tpu.memory_space<vmem>>
      %dma_wait3A_585 = arith.constant 0 : i32
      %dma_wait3A_586 = arith.constant 0 : i32
      %dma_wait3A_587 = tpu.memref_slice %arg4[%dma_wait3A_585, %dma_wait3A_586] : memref<819200x32xf32, #tpu.memory_space<hbm>> -> memref<1024x32xf32, #tpu.memory_space<hbm>>
      %dma_wait3A_588 = arith.constant 0 : i32
      %dma_wait3A_589 = arith.constant 0 : i32
      %dma_wait3A_590 = tpu.memref_slice %arg4[%dma_wait3A_588, %dma_wait3A_589] : memref<819200x32xf32, #tpu.memory_space<hbm>> -> memref<1024x32xf32, #tpu.memory_space<hbm>>
      %dma_wait3A_591 = arith.constant 0 : i32
      %dma_wait3A_592 = arith.constant 0 : i32
      %dma_wait3A_593 = tpu.memref_slice %arg6[%dma_wait3A_580, %dma_wait3A_591, %dma_wait3A_592] : memref<3x1024x32xf32, #tpu.memory_space<vmem>> -> memref<1x1024x32xf32, #tpu.memory_space<vmem>>
      %dma_wait3A_594 = tpu.memref_squeeze %dma_wait3A_593 : memref<1x1024x32xf32, #tpu.memory_space<vmem>> -> memref<1024x32xf32, #tpu.memory_space<vmem>>
      tpu.wait_dma2 semaphore(%arg10 : memref<!tpu.dma_semaphore, #tpu.memory_space<semaphore_mem>>) src(%dma_wait3A_594 : memref<1024x32xf32, #tpu.memory_space<vmem>>) dst(%dma_wait3A_590 : memref<1024x32xf32, #tpu.memory_space<hbm>>)
      %add3A_595 = arith.constant 1 : i32
      %add3A_596 = arith.addi %add3A_579, %add3A_595 : i32
      %mul3A_597 = arith.constant 8 : i32
      %mul3A_598 = arith.muli %add3A_596, %mul3A_597 : i32
      %add3A_599 = arith.constant 0 : i32
      %add3A_600 = arith.addi %mul3A_598, %add3A_599 : i32
      %dma_start3A_601 = arith.constant 0 : i32
      %dma_start3A_602 = arith.constant 0 : i32
      %dma_start3A_603 = arith.constant 0 : i32
      %dma_start3A_604 = tpu.memref_slice %arg6[%dma_start3A_601, %dma_start3A_602, %dma_start3A_603] : memref<3x1024x32xf32, #tpu.memory_space<vmem>> -> memref<1x128x32xf32, #tpu.memory_space<vmem>>
      %dma_start3A_605 = tpu.memref_squeeze %dma_start3A_604 : memref<1x128x32xf32, #tpu.memory_space<vmem>> -> memref<128x32xf32, #tpu.memory_space<vmem>>
      %dma_start3A_606 = arith.constant 0 : i32
      %dma_start3A_607 = tpu.memref_slice %arg5[%add3A_600, %dma_start3A_606] : memref<200x128xi32, #tpu.memory_space<vmem>> -> memref<1x128xi32, #tpu.memory_space<vmem>>
      %dma_start3A_608 = tpu.memref_squeeze %dma_start3A_607 : memref<1x128xi32, #tpu.memory_space<vmem>> -> memref<128xi32, #tpu.memory_space<vmem>>
      %dma_start3A_609 = arith.constant 0 : i32
      %dma_start3A_610 = arith.constant 0 : i32
      %dma_start3A_611 = tpu.memref_slice %arg3[%dma_start3A_609, %dma_start3A_610] : memref<1000000x32xf32, #tpu.memory_space<hbm>> -> memref<1000000x32xf32, #tpu.memory_space<hbm>>
      tpu.enqueue_indirect_dma source(%dma_start3A_611 : memref<1000000x32xf32, #tpu.memory_space<hbm>>) target(%dma_start3A_605 : memref<128x32xf32, #tpu.memory_space<vmem>>) offsets(%dma_start3A_608 : memref<128xi32, #tpu.memory_space<vmem>>) semaphore(%arg7 : memref<!tpu.dma_semaphore, #tpu.memory_space<semaphore_mem>>)
      %mul3A_612 = arith.constant 8 : i32
      %mul3A_613 = arith.muli %add3A_596, %mul3A_612 : i32
      %add3A_614 = arith.constant 1 : i32
      %add3A_615 = arith.addi %mul3A_613, %add3A_614 : i32
      %dma_start3A_616 = arith.constant 0 : i32
      %dma_start3A_617 = arith.constant 128 : i32
      %dma_start3A_618 = arith.constant 0 : i32
      %dma_start3A_619 = tpu.memref_slice %arg6[%dma_start3A_616, %dma_start3A_617, %dma_start3A_618] : memref<3x1024x32xf32, #tpu.memory_space<vmem>> -> memref<1x128x32xf32, #tpu.memory_space<vmem>>
      %dma_start3A_620 = tpu.memref_squeeze %dma_start3A_619 : memref<1x128x32xf32, #tpu.memory_space<vmem>> -> memref<128x32xf32, #tpu.memory_space<vmem>>
      %dma_start3A_621 = arith.constant 0 : i32
      %dma_start3A_622 = tpu.memref_slice %arg5[%add3A_615, %dma_start3A_621] : memref<200x128xi32, #tpu.memory_space<vmem>> -> memref<1x128xi32, #tpu.memory_space<vmem>>
      %dma_start3A_623 = tpu.memref_squeeze %dma_start3A_622 : memref<1x128xi32, #tpu.memory_space<vmem>> -> memref<128xi32, #tpu.memory_space<vmem>>
      %dma_start3A_624 = arith.constant 0 : i32
      %dma_start3A_625 = arith.constant 0 : i32
      %dma_start3A_626 = tpu.memref_slice %arg3[%dma_start3A_624, %dma_start3A_625] : memref<1000000x32xf32, #tpu.memory_space<hbm>> -> memref<1000000x32xf32, #tpu.memory_space<hbm>>
      tpu.enqueue_indirect_dma source(%dma_start3A_626 : memref<1000000x32xf32, #tpu.memory_space<hbm>>) target(%dma_start3A_620 : memref<128x32xf32, #tpu.memory_space<vmem>>) offsets(%dma_start3A_623 : memref<128xi32, #tpu.memory_space<vmem>>) semaphore(%arg7 : memref<!tpu.dma_semaphore, #tpu.memory_space<semaphore_mem>>)
      %mul3A_627 = arith.constant 8 : i32
      %mul3A_628 = arith.muli %add3A_596, %mul3A_627 : i32
      %add3A_629 = arith.constant 2 : i32
      %add3A_630 = arith.addi %mul3A_628, %add3A_629 : i32
      %dma_start3A_631 = arith.constant 0 : i32
      %dma_start3A_632 = arith.constant 256 : i32
      %dma_start3A_633 = arith.constant 0 : i32
      %dma_start3A_634 = tpu.memref_slice %arg6[%dma_start3A_631, %dma_start3A_632, %dma_start3A_633] : memref<3x1024x32xf32, #tpu.memory_space<vmem>> -> memref<1x128x32xf32, #tpu.memory_space<vmem>>
      %dma_start3A_635 = tpu.memref_squeeze %dma_start3A_634 : memref<1x128x32xf32, #tpu.memory_space<vmem>> -> memref<128x32xf32, #tpu.memory_space<vmem>>
      %dma_start3A_636 = arith.constant 0 : i32
      %dma_start3A_637 = tpu.memref_slice %arg5[%add3A_630, %dma_start3A_636] : memref<200x128xi32, #tpu.memory_space<vmem>> -> memref<1x128xi32, #tpu.memory_space<vmem>>
      %dma_start3A_638 = tpu.memref_squeeze %dma_start3A_637 : memref<1x128xi32, #tpu.memory_space<vmem>> -> memref<128xi32, #tpu.memory_space<vmem>>
      %dma_start3A_639 = arith.constant 0 : i32
      %dma_start3A_640 = arith.constant 0 : i32
      %dma_start3A_641 = tpu.memref_slice %arg3[%dma_start3A_639, %dma_start3A_640] : memref<1000000x32xf32, #tpu.memory_space<hbm>> -> memref<1000000x32xf32, #tpu.memory_space<hbm>>
      tpu.enqueue_indirect_dma source(%dma_start3A_641 : memref<1000000x32xf32, #tpu.memory_space<hbm>>) target(%dma_start3A_635 : memref<128x32xf32, #tpu.memory_space<vmem>>) offsets(%dma_start3A_638 : memref<128xi32, #tpu.memory_space<vmem>>) semaphore(%arg7 : memref<!tpu.dma_semaphore, #tpu.memory_space<semaphore_mem>>)
      %mul3A_642 = arith.constant 8 : i32
      %mul3A_643 = arith.muli %add3A_596, %mul3A_642 : i32
      %add3A_644 = arith.constant 3 : i32
      %add3A_645 = arith.addi %mul3A_643, %add3A_644 : i32
      %dma_start3A_646 = arith.constant 0 : i32
      %dma_start3A_647 = arith.constant 384 : i32
      %dma_start3A_648 = arith.constant 0 : i32
      %dma_start3A_649 = tpu.memref_slice %arg6[%dma_start3A_646, %dma_start3A_647, %dma_start3A_648] : memref<3x1024x32xf32, #tpu.memory_space<vmem>> -> memref<1x128x32xf32, #tpu.memory_space<vmem>>
      %dma_start3A_650 = tpu.memref_squeeze %dma_start3A_649 : memref<1x128x32xf32, #tpu.memory_space<vmem>> -> memref<128x32xf32, #tpu.memory_space<vmem>>
      %dma_start3A_651 = arith.constant 0 : i32
      %dma_start3A_652 = tpu.memref_slice %arg5[%add3A_645, %dma_start3A_651] : memref<200x128xi32, #tpu.memory_space<vmem>> -> memref<1x128xi32, #tpu.memory_space<vmem>>
      %dma_start3A_653 = tpu.memref_squeeze %dma_start3A_652 : memref<1x128xi32, #tpu.memory_space<vmem>> -> memref<128xi32, #tpu.memory_space<vmem>>
      %dma_start3A_654 = arith.constant 0 : i32
      %dma_start3A_655 = arith.constant 0 : i32
      %dma_start3A_656 = tpu.memref_slice %arg3[%dma_start3A_654, %dma_start3A_655] : memref<1000000x32xf32, #tpu.memory_space<hbm>> -> memref<1000000x32xf32, #tpu.memory_space<hbm>>
      tpu.enqueue_indirect_dma source(%dma_start3A_656 : memref<1000000x32xf32, #tpu.memory_space<hbm>>) target(%dma_start3A_650 : memref<128x32xf32, #tpu.memory_space<vmem>>) offsets(%dma_start3A_653 : memref<128xi32, #tpu.memory_space<vmem>>) semaphore(%arg7 : memref<!tpu.dma_semaphore, #tpu.memory_space<semaphore_mem>>)
      %mul3A_657 = arith.constant 8 : i32
      %mul3A_658 = arith.muli %add3A_596, %mul3A_657 : i32
      %add3A_659 = arith.constant 4 : i32
      %add3A_660 = arith.addi %mul3A_658, %add3A_659 : i32
      %dma_start3A_661 = arith.constant 0 : i32
      %dma_start3A_662 = arith.constant 512 : i32
      %dma_start3A_663 = arith.constant 0 : i32
      %dma_start3A_664 = tpu.memref_slice %arg6[%dma_start3A_661, %dma_start3A_662, %dma_start3A_663] : memref<3x1024x32xf32, #tpu.memory_space<vmem>> -> memref<1x128x32xf32, #tpu.memory_space<vmem>>
      %dma_start3A_665 = tpu.memref_squeeze %dma_start3A_664 : memref<1x128x32xf32, #tpu.memory_space<vmem>> -> memref<128x32xf32, #tpu.memory_space<vmem>>
      %dma_start3A_666 = arith.constant 0 : i32
      %dma_start3A_667 = tpu.memref_slice %arg5[%add3A_660, %dma_start3A_666] : memref<200x128xi32, #tpu.memory_space<vmem>> -> memref<1x128xi32, #tpu.memory_space<vmem>>
      %dma_start3A_668 = tpu.memref_squeeze %dma_start3A_667 : memref<1x128xi32, #tpu.memory_space<vmem>> -> memref<128xi32, #tpu.memory_space<vmem>>
      %dma_start3A_669 = arith.constant 0 : i32
      %dma_start3A_670 = arith.constant 0 : i32
      %dma_start3A_671 = tpu.memref_slice %arg3[%dma_start3A_669, %dma_start3A_670] : memref<1000000x32xf32, #tpu.memory_space<hbm>> -> memref<1000000x32xf32, #tpu.memory_space<hbm>>
      tpu.enqueue_indirect_dma source(%dma_start3A_671 : memref<1000000x32xf32, #tpu.memory_space<hbm>>) target(%dma_start3A_665 : memref<128x32xf32, #tpu.memory_space<vmem>>) offsets(%dma_start3A_668 : memref<128xi32, #tpu.memory_space<vmem>>) semaphore(%arg7 : memref<!tpu.dma_semaphore, #tpu.memory_space<semaphore_mem>>)
      %mul3A_672 = arith.constant 8 : i32
      %mul3A_673 = arith.muli %add3A_596, %mul3A_672 : i32
      %add3A_674 = arith.constant 5 : i32
      %add3A_675 = arith.addi %mul3A_673, %add3A_674 : i32
      %dma_start3A_676 = arith.constant 0 : i32
      %dma_start3A_677 = arith.constant 640 : i32
      %dma_start3A_678 = arith.constant 0 : i32
      %dma_start3A_679 = tpu.memref_slice %arg6[%dma_start3A_676, %dma_start3A_677, %dma_start3A_678] : memref<3x1024x32xf32, #tpu.memory_space<vmem>> -> memref<1x128x32xf32, #tpu.memory_space<vmem>>
      %dma_start3A_680 = tpu.memref_squeeze %dma_start3A_679 : memref<1x128x32xf32, #tpu.memory_space<vmem>> -> memref<128x32xf32, #tpu.memory_space<vmem>>
      %dma_start3A_681 = arith.constant 0 : i32
      %dma_start3A_682 = tpu.memref_slice %arg5[%add3A_675, %dma_start3A_681] : memref<200x128xi32, #tpu.memory_space<vmem>> -> memref<1x128xi32, #tpu.memory_space<vmem>>
      %dma_start3A_683 = tpu.memref_squeeze %dma_start3A_682 : memref<1x128xi32, #tpu.memory_space<vmem>> -> memref<128xi32, #tpu.memory_space<vmem>>
      %dma_start3A_684 = arith.constant 0 : i32
      %dma_start3A_685 = arith.constant 0 : i32
      %dma_start3A_686 = tpu.memref_slice %arg3[%dma_start3A_684, %dma_start3A_685] : memref<1000000x32xf32, #tpu.memory_space<hbm>> -> memref<1000000x32xf32, #tpu.memory_space<hbm>>
      tpu.enqueue_indirect_dma source(%dma_start3A_686 : memref<1000000x32xf32, #tpu.memory_space<hbm>>) target(%dma_start3A_680 : memref<128x32xf32, #tpu.memory_space<vmem>>) offsets(%dma_start3A_683 : memref<128xi32, #tpu.memory_space<vmem>>) semaphore(%arg7 : memref<!tpu.dma_semaphore, #tpu.memory_space<semaphore_mem>>)
      %mul3A_687 = arith.constant 8 : i32
      %mul3A_688 = arith.muli %add3A_596, %mul3A_687 : i32
      %add3A_689 = arith.constant 6 : i32
      %add3A_690 = arith.addi %mul3A_688, %add3A_689 : i32
      %dma_start3A_691 = arith.constant 0 : i32
      %dma_start3A_692 = arith.constant 768 : i32
      %dma_start3A_693 = arith.constant 0 : i32
      %dma_start3A_694 = tpu.memref_slice %arg6[%dma_start3A_691, %dma_start3A_692, %dma_start3A_693] : memref<3x1024x32xf32, #tpu.memory_space<vmem>> -> memref<1x128x32xf32, #tpu.memory_space<vmem>>
      %dma_start3A_695 = tpu.memref_squeeze %dma_start3A_694 : memref<1x128x32xf32, #tpu.memory_space<vmem>> -> memref<128x32xf32, #tpu.memory_space<vmem>>
      %dma_start3A_696 = arith.constant 0 : i32
      %dma_start3A_697 = tpu.memref_slice %arg5[%add3A_690, %dma_start3A_696] : memref<200x128xi32, #tpu.memory_space<vmem>> -> memref<1x128xi32, #tpu.memory_space<vmem>>
      %dma_start3A_698 = tpu.memref_squeeze %dma_start3A_697 : memref<1x128xi32, #tpu.memory_space<vmem>> -> memref<128xi32, #tpu.memory_space<vmem>>
      %dma_start3A_699 = arith.constant 0 : i32
      %dma_start3A_700 = arith.constant 0 : i32
      %dma_start3A_701 = tpu.memref_slice %arg3[%dma_start3A_699, %dma_start3A_700] : memref<1000000x32xf32, #tpu.memory_space<hbm>> -> memref<1000000x32xf32, #tpu.memory_space<hbm>>
      tpu.enqueue_indirect_dma source(%dma_start3A_701 : memref<1000000x32xf32, #tpu.memory_space<hbm>>) target(%dma_start3A_695 : memref<128x32xf32, #tpu.memory_space<vmem>>) offsets(%dma_start3A_698 : memref<128xi32, #tpu.memory_space<vmem>>) semaphore(%arg7 : memref<!tpu.dma_semaphore, #tpu.memory_space<semaphore_mem>>)
      %mul3A_702 = arith.constant 8 : i32
      %mul3A_703 = arith.muli %add3A_596, %mul3A_702 : i32
      %add3A_704 = arith.constant 7 : i32
      %add3A_705 = arith.addi %mul3A_703, %add3A_704 : i32
      %dma_start3A_706 = arith.constant 0 : i32
      %dma_start3A_707 = arith.constant 896 : i32
      %dma_start3A_708 = arith.constant 0 : i32
      %dma_start3A_709 = tpu.memref_slice %arg6[%dma_start3A_706, %dma_start3A_707, %dma_start3A_708] : memref<3x1024x32xf32, #tpu.memory_space<vmem>> -> memref<1x128x32xf32, #tpu.memory_space<vmem>>
      %dma_start3A_710 = tpu.memref_squeeze %dma_start3A_709 : memref<1x128x32xf32, #tpu.memory_space<vmem>> -> memref<128x32xf32, #tpu.memory_space<vmem>>
      %dma_start3A_711 = arith.constant 0 : i32
      %dma_start3A_712 = tpu.memref_slice %arg5[%add3A_705, %dma_start3A_711] : memref<200x128xi32, #tpu.memory_space<vmem>> -> memref<1x128xi32, #tpu.memory_space<vmem>>
      %dma_start3A_713 = tpu.memref_squeeze %dma_start3A_712 : memref<1x128xi32, #tpu.memory_space<vmem>> -> memref<128xi32, #tpu.memory_space<vmem>>
      %dma_start3A_714 = arith.constant 0 : i32
      %dma_start3A_715 = arith.constant 0 : i32
      %dma_start3A_716 = tpu.memref_slice %arg3[%dma_start3A_714, %dma_start3A_715] : memref<1000000x32xf32, #tpu.memory_space<hbm>> -> memref<1000000x32xf32, #tpu.memory_space<hbm>>
      tpu.enqueue_indirect_dma source(%dma_start3A_716 : memref<1000000x32xf32, #tpu.memory_space<hbm>>) target(%dma_start3A_710 : memref<128x32xf32, #tpu.memory_space<vmem>>) offsets(%dma_start3A_713 : memref<128xi32, #tpu.memory_space<vmem>>) semaphore(%arg7 : memref<!tpu.dma_semaphore, #tpu.memory_space<semaphore_mem>>)
      %dma_wait3A_717 = arith.constant 2 : i32
      %dma_wait3A_718 = arith.constant 0 : i32
      %dma_wait3A_719 = arith.constant 0 : i32
      %dma_wait3A_720 = tpu.memref_slice %arg6[%dma_wait3A_717, %dma_wait3A_718, %dma_wait3A_719] : memref<3x1024x32xf32, #tpu.memory_space<vmem>> -> memref<1x1024x32xf32, #tpu.memory_space<vmem>>
      %dma_wait3A_721 = tpu.memref_squeeze %dma_wait3A_720 : memref<1x1024x32xf32, #tpu.memory_space<vmem>> -> memref<1024x32xf32, #tpu.memory_space<vmem>>
      %dma_wait3A_722 = arith.constant 0 : i32
      %dma_wait3A_723 = arith.constant 0 : i32
      %dma_wait3A_724 = tpu.memref_slice %arg4[%dma_wait3A_722, %dma_wait3A_723] : memref<819200x32xf32, #tpu.memory_space<hbm>> -> memref<1024x32xf32, #tpu.memory_space<hbm>>
      %dma_wait3A_725 = arith.constant 0 : i32
      %dma_wait3A_726 = arith.constant 0 : i32
      %dma_wait3A_727 = tpu.memref_slice %arg6[%dma_wait3A_717, %dma_wait3A_725, %dma_wait3A_726] : memref<3x1024x32xf32, #tpu.memory_space<vmem>> -> memref<1x1024x32xf32, #tpu.memory_space<vmem>>
      %dma_wait3A_728 = tpu.memref_squeeze %dma_wait3A_727 : memref<1x1024x32xf32, #tpu.memory_space<vmem>> -> memref<1024x32xf32, #tpu.memory_space<vmem>>
      %dma_wait3A_729 = arith.constant 0 : i32
      %dma_wait3A_730 = arith.constant 0 : i32
      %dma_wait3A_731 = tpu.memref_slice %arg4[%dma_wait3A_729, %dma_wait3A_730] : memref<819200x32xf32, #tpu.memory_space<hbm>> -> memref<1024x32xf32, #tpu.memory_space<hbm>>
      tpu.wait_dma2 semaphore(%arg9 : memref<!tpu.dma_semaphore, #tpu.memory_space<semaphore_mem>>) src(%dma_wait3A_731 : memref<1024x32xf32, #tpu.memory_space<hbm>>) dst(%dma_wait3A_728 : memref<1024x32xf32, #tpu.memory_space<vmem>>)
      %mul3A_732 = arith.constant 1024 : i32
      %mul3A_733 = arith.muli %add3A_579, %mul3A_732 : i32
      %add3A_734 = arith.addi %mul3A_4, %mul3A_733 : i32
      %dma_start3A_735 = arith.constant 2 : i32
      %dma_start3A_736 = arith.constant 0 : i32
      %dma_start3A_737 = arith.constant 0 : i32
      %dma_start3A_738 = tpu.memref_slice %arg6[%dma_start3A_735, %dma_start3A_736, %dma_start3A_737] : memref<3x1024x32xf32, #tpu.memory_space<vmem>> -> memref<1x1024x32xf32, #tpu.memory_space<vmem>>
      %dma_start3A_739 = tpu.memref_squeeze %dma_start3A_738 : memref<1x1024x32xf32, #tpu.memory_space<vmem>> -> memref<1024x32xf32, #tpu.memory_space<vmem>>
      %dma_start3A_740 = arith.constant 0 : i32
      %dma_start3A_741 = tpu.memref_slice %arg4[%add3A_734, %dma_start3A_740] : memref<819200x32xf32, #tpu.memory_space<hbm>> -> memref<1024x32xf32, #tpu.memory_space<hbm>>
      %dma_start3A_742 = arith.constant 0 : i32
      %dma_start3A_743 = tpu.memref_slice %arg4[%add3A_734, %dma_start3A_742] : memref<819200x32xf32, #tpu.memory_space<hbm>> -> memref<1024x32xf32, #tpu.memory_space<hbm>>
      %dma_start3A_744 = arith.constant 0 : i32
      %dma_start3A_745 = arith.constant 0 : i32
      %dma_start3A_746 = tpu.memref_slice %arg6[%dma_start3A_735, %dma_start3A_744, %dma_start3A_745] : memref<3x1024x32xf32, #tpu.memory_space<vmem>> -> memref<1x1024x32xf32, #tpu.memory_space<vmem>>
      %dma_start3A_747 = tpu.memref_squeeze %dma_start3A_746 : memref<1x1024x32xf32, #tpu.memory_space<vmem>> -> memref<1024x32xf32, #tpu.memory_space<vmem>>
      tpu.enqueue_dma source(%dma_start3A_747 : memref<1024x32xf32, #tpu.memory_space<vmem>>) target(%dma_start3A_743 : memref<1024x32xf32, #tpu.memory_space<hbm>>) target_semaphore(%arg12 : memref<!tpu.dma_semaphore, #tpu.memory_space<semaphore_mem>>)
      %dma_wait3A_748 = arith.constant 1 : i32
      %dma_wait3A_749 = arith.constant 0 : i32
      %dma_wait3A_750 = arith.constant 0 : i32
      %dma_wait3A_751 = tpu.memref_slice %arg6[%dma_wait3A_748, %dma_wait3A_749, %dma_wait3A_750] : memref<3x1024x32xf32, #tpu.memory_space<vmem>> -> memref<1x1024x32xf32, #tpu.memory_space<vmem>>
      %dma_wait3A_752 = tpu.memref_squeeze %dma_wait3A_751 : memref<1x1024x32xf32, #tpu.memory_space<vmem>> -> memref<1024x32xf32, #tpu.memory_space<vmem>>
      %dma_wait3A_753 = arith.constant 0 : i32
      %dma_wait3A_754 = arith.constant 0 : i32
      %dma_wait3A_755 = tpu.memref_slice %arg4[%dma_wait3A_753, %dma_wait3A_754] : memref<819200x32xf32, #tpu.memory_space<hbm>> -> memref<1024x32xf32, #tpu.memory_space<hbm>>
      %dma_wait3A_756 = arith.constant 0 : i32
      %dma_wait3A_757 = arith.constant 0 : i32
      %dma_wait3A_758 = tpu.memref_slice %arg4[%dma_wait3A_756, %dma_wait3A_757] : memref<819200x32xf32, #tpu.memory_space<hbm>> -> memref<1024x32xf32, #tpu.memory_space<hbm>>
      %dma_wait3A_759 = arith.constant 0 : i32
      %dma_wait3A_760 = arith.constant 0 : i32
      %dma_wait3A_761 = tpu.memref_slice %arg6[%dma_wait3A_748, %dma_wait3A_759, %dma_wait3A_760] : memref<3x1024x32xf32, #tpu.memory_space<vmem>> -> memref<1x1024x32xf32, #tpu.memory_space<vmem>>
      %dma_wait3A_762 = tpu.memref_squeeze %dma_wait3A_761 : memref<1x1024x32xf32, #tpu.memory_space<vmem>> -> memref<1024x32xf32, #tpu.memory_space<vmem>>
      tpu.wait_dma2 semaphore(%arg11 : memref<!tpu.dma_semaphore, #tpu.memory_space<semaphore_mem>>) src(%dma_wait3A_762 : memref<1024x32xf32, #tpu.memory_space<vmem>>) dst(%dma_wait3A_758 : memref<1024x32xf32, #tpu.memory_space<hbm>>)
      %add3A_763 = arith.constant 2 : i32
      %add3A_764 = arith.addi %add3A_579, %add3A_763 : i32
      %mul3A_765 = arith.constant 8 : i32
      %mul3A_766 = arith.muli %add3A_764, %mul3A_765 : i32
      %add3A_767 = arith.constant 0 : i32
      %add3A_768 = arith.addi %mul3A_766, %add3A_767 : i32
      %dma_start3A_769 = arith.constant 1 : i32
      %dma_start3A_770 = arith.constant 0 : i32
      %dma_start3A_771 = arith.constant 0 : i32
      %dma_start3A_772 = tpu.memref_slice %arg6[%dma_start3A_769, %dma_start3A_770, %dma_start3A_771] : memref<3x1024x32xf32, #tpu.memory_space<vmem>> -> memref<1x128x32xf32, #tpu.memory_space<vmem>>
      %dma_start3A_773 = tpu.memref_squeeze %dma_start3A_772 : memref<1x128x32xf32, #tpu.memory_space<vmem>> -> memref<128x32xf32, #tpu.memory_space<vmem>>
      %dma_start3A_774 = arith.constant 0 : i32
      %dma_start3A_775 = tpu.memref_slice %arg5[%add3A_768, %dma_start3A_774] : memref<200x128xi32, #tpu.memory_space<vmem>> -> memref<1x128xi32, #tpu.memory_space<vmem>>
      %dma_start3A_776 = tpu.memref_squeeze %dma_start3A_775 : memref<1x128xi32, #tpu.memory_space<vmem>> -> memref<128xi32, #tpu.memory_space<vmem>>
      %dma_start3A_777 = arith.constant 0 : i32
      %dma_start3A_778 = arith.constant 0 : i32
      %dma_start3A_779 = tpu.memref_slice %arg3[%dma_start3A_777, %dma_start3A_778] : memref<1000000x32xf32, #tpu.memory_space<hbm>> -> memref<1000000x32xf32, #tpu.memory_space<hbm>>
      tpu.enqueue_indirect_dma source(%dma_start3A_779 : memref<1000000x32xf32, #tpu.memory_space<hbm>>) target(%dma_start3A_773 : memref<128x32xf32, #tpu.memory_space<vmem>>) offsets(%dma_start3A_776 : memref<128xi32, #tpu.memory_space<vmem>>) semaphore(%arg8 : memref<!tpu.dma_semaphore, #tpu.memory_space<semaphore_mem>>)
      %mul3A_780 = arith.constant 8 : i32
      %mul3A_781 = arith.muli %add3A_764, %mul3A_780 : i32
      %add3A_782 = arith.constant 1 : i32
      %add3A_783 = arith.addi %mul3A_781, %add3A_782 : i32
      %dma_start3A_784 = arith.constant 1 : i32
      %dma_start3A_785 = arith.constant 128 : i32
      %dma_start3A_786 = arith.constant 0 : i32
      %dma_start3A_787 = tpu.memref_slice %arg6[%dma_start3A_784, %dma_start3A_785, %dma_start3A_786] : memref<3x1024x32xf32, #tpu.memory_space<vmem>> -> memref<1x128x32xf32, #tpu.memory_space<vmem>>
      %dma_start3A_788 = tpu.memref_squeeze %dma_start3A_787 : memref<1x128x32xf32, #tpu.memory_space<vmem>> -> memref<128x32xf32, #tpu.memory_space<vmem>>
      %dma_start3A_789 = arith.constant 0 : i32
      %dma_start3A_790 = tpu.memref_slice %arg5[%add3A_783, %dma_start3A_789] : memref<200x128xi32, #tpu.memory_space<vmem>> -> memref<1x128xi32, #tpu.memory_space<vmem>>
      %dma_start3A_791 = tpu.memref_squeeze %dma_start3A_790 : memref<1x128xi32, #tpu.memory_space<vmem>> -> memref<128xi32, #tpu.memory_space<vmem>>
      %dma_start3A_792 = arith.constant 0 : i32
      %dma_start3A_793 = arith.constant 0 : i32
      %dma_start3A_794 = tpu.memref_slice %arg3[%dma_start3A_792, %dma_start3A_793] : memref<1000000x32xf32, #tpu.memory_space<hbm>> -> memref<1000000x32xf32, #tpu.memory_space<hbm>>
      tpu.enqueue_indirect_dma source(%dma_start3A_794 : memref<1000000x32xf32, #tpu.memory_space<hbm>>) target(%dma_start3A_788 : memref<128x32xf32, #tpu.memory_space<vmem>>) offsets(%dma_start3A_791 : memref<128xi32, #tpu.memory_space<vmem>>) semaphore(%arg8 : memref<!tpu.dma_semaphore, #tpu.memory_space<semaphore_mem>>)
      %mul3A_795 = arith.constant 8 : i32
      %mul3A_796 = arith.muli %add3A_764, %mul3A_795 : i32
      %add3A_797 = arith.constant 2 : i32
      %add3A_798 = arith.addi %mul3A_796, %add3A_797 : i32
      %dma_start3A_799 = arith.constant 1 : i32
      %dma_start3A_800 = arith.constant 256 : i32
      %dma_start3A_801 = arith.constant 0 : i32
      %dma_start3A_802 = tpu.memref_slice %arg6[%dma_start3A_799, %dma_start3A_800, %dma_start3A_801] : memref<3x1024x32xf32, #tpu.memory_space<vmem>> -> memref<1x128x32xf32, #tpu.memory_space<vmem>>
      %dma_start3A_803 = tpu.memref_squeeze %dma_start3A_802 : memref<1x128x32xf32, #tpu.memory_space<vmem>> -> memref<128x32xf32, #tpu.memory_space<vmem>>
      %dma_start3A_804 = arith.constant 0 : i32
      %dma_start3A_805 = tpu.memref_slice %arg5[%add3A_798, %dma_start3A_804] : memref<200x128xi32, #tpu.memory_space<vmem>> -> memref<1x128xi32, #tpu.memory_space<vmem>>
      %dma_start3A_806 = tpu.memref_squeeze %dma_start3A_805 : memref<1x128xi32, #tpu.memory_space<vmem>> -> memref<128xi32, #tpu.memory_space<vmem>>
      %dma_start3A_807 = arith.constant 0 : i32
      %dma_start3A_808 = arith.constant 0 : i32
      %dma_start3A_809 = tpu.memref_slice %arg3[%dma_start3A_807, %dma_start3A_808] : memref<1000000x32xf32, #tpu.memory_space<hbm>> -> memref<1000000x32xf32, #tpu.memory_space<hbm>>
      tpu.enqueue_indirect_dma source(%dma_start3A_809 : memref<1000000x32xf32, #tpu.memory_space<hbm>>) target(%dma_start3A_803 : memref<128x32xf32, #tpu.memory_space<vmem>>) offsets(%dma_start3A_806 : memref<128xi32, #tpu.memory_space<vmem>>) semaphore(%arg8 : memref<!tpu.dma_semaphore, #tpu.memory_space<semaphore_mem>>)
      %mul3A_810 = arith.constant 8 : i32
      %mul3A_811 = arith.muli %add3A_764, %mul3A_810 : i32
      %add3A_812 = arith.constant 3 : i32
      %add3A_813 = arith.addi %mul3A_811, %add3A_812 : i32
      %dma_start3A_814 = arith.constant 1 : i32
      %dma_start3A_815 = arith.constant 384 : i32
      %dma_start3A_816 = arith.constant 0 : i32
      %dma_start3A_817 = tpu.memref_slice %arg6[%dma_start3A_814, %dma_start3A_815, %dma_start3A_816] : memref<3x1024x32xf32, #tpu.memory_space<vmem>> -> memref<1x128x32xf32, #tpu.memory_space<vmem>>
      %dma_start3A_818 = tpu.memref_squeeze %dma_start3A_817 : memref<1x128x32xf32, #tpu.memory_space<vmem>> -> memref<128x32xf32, #tpu.memory_space<vmem>>
      %dma_start3A_819 = arith.constant 0 : i32
      %dma_start3A_820 = tpu.memref_slice %arg5[%add3A_813, %dma_start3A_819] : memref<200x128xi32, #tpu.memory_space<vmem>> -> memref<1x128xi32, #tpu.memory_space<vmem>>
      %dma_start3A_821 = tpu.memref_squeeze %dma_start3A_820 : memref<1x128xi32, #tpu.memory_space<vmem>> -> memref<128xi32, #tpu.memory_space<vmem>>
      %dma_start3A_822 = arith.constant 0 : i32
      %dma_start3A_823 = arith.constant 0 : i32
      %dma_start3A_824 = tpu.memref_slice %arg3[%dma_start3A_822, %dma_start3A_823] : memref<1000000x32xf32, #tpu.memory_space<hbm>> -> memref<1000000x32xf32, #tpu.memory_space<hbm>>
      tpu.enqueue_indirect_dma source(%dma_start3A_824 : memref<1000000x32xf32, #tpu.memory_space<hbm>>) target(%dma_start3A_818 : memref<128x32xf32, #tpu.memory_space<vmem>>) offsets(%dma_start3A_821 : memref<128xi32, #tpu.memory_space<vmem>>) semaphore(%arg8 : memref<!tpu.dma_semaphore, #tpu.memory_space<semaphore_mem>>)
      %mul3A_825 = arith.constant 8 : i32
      %mul3A_826 = arith.muli %add3A_764, %mul3A_825 : i32
      %add3A_827 = arith.constant 4 : i32
      %add3A_828 = arith.addi %mul3A_826, %add3A_827 : i32
      %dma_start3A_829 = arith.constant 1 : i32
      %dma_start3A_830 = arith.constant 512 : i32
      %dma_start3A_831 = arith.constant 0 : i32
      %dma_start3A_832 = tpu.memref_slice %arg6[%dma_start3A_829, %dma_start3A_830, %dma_start3A_831] : memref<3x1024x32xf32, #tpu.memory_space<vmem>> -> memref<1x128x32xf32, #tpu.memory_space<vmem>>
      %dma_start3A_833 = tpu.memref_squeeze %dma_start3A_832 : memref<1x128x32xf32, #tpu.memory_space<vmem>> -> memref<128x32xf32, #tpu.memory_space<vmem>>
      %dma_start3A_834 = arith.constant 0 : i32
      %dma_start3A_835 = tpu.memref_slice %arg5[%add3A_828, %dma_start3A_834] : memref<200x128xi32, #tpu.memory_space<vmem>> -> memref<1x128xi32, #tpu.memory_space<vmem>>
      %dma_start3A_836 = tpu.memref_squeeze %dma_start3A_835 : memref<1x128xi32, #tpu.memory_space<vmem>> -> memref<128xi32, #tpu.memory_space<vmem>>
      %dma_start3A_837 = arith.constant 0 : i32
      %dma_start3A_838 = arith.constant 0 : i32
      %dma_start3A_839 = tpu.memref_slice %arg3[%dma_start3A_837, %dma_start3A_838] : memref<1000000x32xf32, #tpu.memory_space<hbm>> -> memref<1000000x32xf32, #tpu.memory_space<hbm>>
      tpu.enqueue_indirect_dma source(%dma_start3A_839 : memref<1000000x32xf32, #tpu.memory_space<hbm>>) target(%dma_start3A_833 : memref<128x32xf32, #tpu.memory_space<vmem>>) offsets(%dma_start3A_836 : memref<128xi32, #tpu.memory_space<vmem>>) semaphore(%arg8 : memref<!tpu.dma_semaphore, #tpu.memory_space<semaphore_mem>>)
      %mul3A_840 = arith.constant 8 : i32
      %mul3A_841 = arith.muli %add3A_764, %mul3A_840 : i32
      %add3A_842 = arith.constant 5 : i32
      %add3A_843 = arith.addi %mul3A_841, %add3A_842 : i32
      %dma_start3A_844 = arith.constant 1 : i32
      %dma_start3A_845 = arith.constant 640 : i32
      %dma_start3A_846 = arith.constant 0 : i32
      %dma_start3A_847 = tpu.memref_slice %arg6[%dma_start3A_844, %dma_start3A_845, %dma_start3A_846] : memref<3x1024x32xf32, #tpu.memory_space<vmem>> -> memref<1x128x32xf32, #tpu.memory_space<vmem>>
      %dma_start3A_848 = tpu.memref_squeeze %dma_start3A_847 : memref<1x128x32xf32, #tpu.memory_space<vmem>> -> memref<128x32xf32, #tpu.memory_space<vmem>>
      %dma_start3A_849 = arith.constant 0 : i32
      %dma_start3A_850 = tpu.memref_slice %arg5[%add3A_843, %dma_start3A_849] : memref<200x128xi32, #tpu.memory_space<vmem>> -> memref<1x128xi32, #tpu.memory_space<vmem>>
      %dma_start3A_851 = tpu.memref_squeeze %dma_start3A_850 : memref<1x128xi32, #tpu.memory_space<vmem>> -> memref<128xi32, #tpu.memory_space<vmem>>
      %dma_start3A_852 = arith.constant 0 : i32
      %dma_start3A_853 = arith.constant 0 : i32
      %dma_start3A_854 = tpu.memref_slice %arg3[%dma_start3A_852, %dma_start3A_853] : memref<1000000x32xf32, #tpu.memory_space<hbm>> -> memref<1000000x32xf32, #tpu.memory_space<hbm>>
      tpu.enqueue_indirect_dma source(%dma_start3A_854 : memref<1000000x32xf32, #tpu.memory_space<hbm>>) target(%dma_start3A_848 : memref<128x32xf32, #tpu.memory_space<vmem>>) offsets(%dma_start3A_851 : memref<128xi32, #tpu.memory_space<vmem>>) semaphore(%arg8 : memref<!tpu.dma_semaphore, #tpu.memory_space<semaphore_mem>>)
      %mul3A_855 = arith.constant 8 : i32
      %mul3A_856 = arith.muli %add3A_764, %mul3A_855 : i32
      %add3A_857 = arith.constant 6 : i32
      %add3A_858 = arith.addi %mul3A_856, %add3A_857 : i32
      %dma_start3A_859 = arith.constant 1 : i32
      %dma_start3A_860 = arith.constant 768 : i32
      %dma_start3A_861 = arith.constant 0 : i32
      %dma_start3A_862 = tpu.memref_slice %arg6[%dma_start3A_859, %dma_start3A_860, %dma_start3A_861] : memref<3x1024x32xf32, #tpu.memory_space<vmem>> -> memref<1x128x32xf32, #tpu.memory_space<vmem>>
      %dma_start3A_863 = tpu.memref_squeeze %dma_start3A_862 : memref<1x128x32xf32, #tpu.memory_space<vmem>> -> memref<128x32xf32, #tpu.memory_space<vmem>>
      %dma_start3A_864 = arith.constant 0 : i32
      %dma_start3A_865 = tpu.memref_slice %arg5[%add3A_858, %dma_start3A_864] : memref<200x128xi32, #tpu.memory_space<vmem>> -> memref<1x128xi32, #tpu.memory_space<vmem>>
      %dma_start3A_866 = tpu.memref_squeeze %dma_start3A_865 : memref<1x128xi32, #tpu.memory_space<vmem>> -> memref<128xi32, #tpu.memory_space<vmem>>
      %dma_start3A_867 = arith.constant 0 : i32
      %dma_start3A_868 = arith.constant 0 : i32
      %dma_start3A_869 = tpu.memref_slice %arg3[%dma_start3A_867, %dma_start3A_868] : memref<1000000x32xf32, #tpu.memory_space<hbm>> -> memref<1000000x32xf32, #tpu.memory_space<hbm>>
      tpu.enqueue_indirect_dma source(%dma_start3A_869 : memref<1000000x32xf32, #tpu.memory_space<hbm>>) target(%dma_start3A_863 : memref<128x32xf32, #tpu.memory_space<vmem>>) offsets(%dma_start3A_866 : memref<128xi32, #tpu.memory_space<vmem>>) semaphore(%arg8 : memref<!tpu.dma_semaphore, #tpu.memory_space<semaphore_mem>>)
      %mul3A_870 = arith.constant 8 : i32
      %mul3A_871 = arith.muli %add3A_764, %mul3A_870 : i32
      %add3A_872 = arith.constant 7 : i32
      %add3A_873 = arith.addi %mul3A_871, %add3A_872 : i32
      %dma_start3A_874 = arith.constant 1 : i32
      %dma_start3A_875 = arith.constant 896 : i32
      %dma_start3A_876 = arith.constant 0 : i32
      %dma_start3A_877 = tpu.memref_slice %arg6[%dma_start3A_874, %dma_start3A_875, %dma_start3A_876] : memref<3x1024x32xf32, #tpu.memory_space<vmem>> -> memref<1x128x32xf32, #tpu.memory_space<vmem>>
      %dma_start3A_878 = tpu.memref_squeeze %dma_start3A_877 : memref<1x128x32xf32, #tpu.memory_space<vmem>> -> memref<128x32xf32, #tpu.memory_space<vmem>>
      %dma_start3A_879 = arith.constant 0 : i32
      %dma_start3A_880 = tpu.memref_slice %arg5[%add3A_873, %dma_start3A_879] : memref<200x128xi32, #tpu.memory_space<vmem>> -> memref<1x128xi32, #tpu.memory_space<vmem>>
      %dma_start3A_881 = tpu.memref_squeeze %dma_start3A_880 : memref<1x128xi32, #tpu.memory_space<vmem>> -> memref<128xi32, #tpu.memory_space<vmem>>
      %dma_start3A_882 = arith.constant 0 : i32
      %dma_start3A_883 = arith.constant 0 : i32
      %dma_start3A_884 = tpu.memref_slice %arg3[%dma_start3A_882, %dma_start3A_883] : memref<1000000x32xf32, #tpu.memory_space<hbm>> -> memref<1000000x32xf32, #tpu.memory_space<hbm>>
      tpu.enqueue_indirect_dma source(%dma_start3A_884 : memref<1000000x32xf32, #tpu.memory_space<hbm>>) target(%dma_start3A_878 : memref<128x32xf32, #tpu.memory_space<vmem>>) offsets(%dma_start3A_881 : memref<128xi32, #tpu.memory_space<vmem>>) semaphore(%arg8 : memref<!tpu.dma_semaphore, #tpu.memory_space<semaphore_mem>>)
      %dma_wait3A_885 = arith.constant 0 : i32
      %dma_wait3A_886 = arith.constant 0 : i32
      %dma_wait3A_887 = arith.constant 0 : i32
      %dma_wait3A_888 = tpu.memref_slice %arg6[%dma_wait3A_885, %dma_wait3A_886, %dma_wait3A_887] : memref<3x1024x32xf32, #tpu.memory_space<vmem>> -> memref<1x1024x32xf32, #tpu.memory_space<vmem>>
      %dma_wait3A_889 = tpu.memref_squeeze %dma_wait3A_888 : memref<1x1024x32xf32, #tpu.memory_space<vmem>> -> memref<1024x32xf32, #tpu.memory_space<vmem>>
      %dma_wait3A_890 = arith.constant 0 : i32
      %dma_wait3A_891 = arith.constant 0 : i32
      %dma_wait3A_892 = tpu.memref_slice %arg4[%dma_wait3A_890, %dma_wait3A_891] : memref<819200x32xf32, #tpu.memory_space<hbm>> -> memref<1024x32xf32, #tpu.memory_space<hbm>>
      %dma_wait3A_893 = arith.constant 0 : i32
      %dma_wait3A_894 = arith.constant 0 : i32
      %dma_wait3A_895 = tpu.memref_slice %arg6[%dma_wait3A_885, %dma_wait3A_893, %dma_wait3A_894] : memref<3x1024x32xf32, #tpu.memory_space<vmem>> -> memref<1x1024x32xf32, #tpu.memory_space<vmem>>
      %dma_wait3A_896 = tpu.memref_squeeze %dma_wait3A_895 : memref<1x1024x32xf32, #tpu.memory_space<vmem>> -> memref<1024x32xf32, #tpu.memory_space<vmem>>
      %dma_wait3A_897 = arith.constant 0 : i32
      %dma_wait3A_898 = arith.constant 0 : i32
      %dma_wait3A_899 = tpu.memref_slice %arg4[%dma_wait3A_897, %dma_wait3A_898] : memref<819200x32xf32, #tpu.memory_space<hbm>> -> memref<1024x32xf32, #tpu.memory_space<hbm>>
      tpu.wait_dma2 semaphore(%arg7 : memref<!tpu.dma_semaphore, #tpu.memory_space<semaphore_mem>>) src(%dma_wait3A_899 : memref<1024x32xf32, #tpu.memory_space<hbm>>) dst(%dma_wait3A_896 : memref<1024x32xf32, #tpu.memory_space<vmem>>)
      %add3A_900 = arith.constant 1 : i32
      %add3A_901 = arith.addi %add3A_579, %add3A_900 : i32
      %mul3A_902 = arith.constant 1024 : i32
      %mul3A_903 = arith.muli %add3A_901, %mul3A_902 : i32
      %add3A_904 = arith.addi %mul3A_4, %mul3A_903 : i32
      %dma_start3A_905 = arith.constant 0 : i32
      %dma_start3A_906 = arith.constant 0 : i32
      %dma_start3A_907 = arith.constant 0 : i32
      %dma_start3A_908 = tpu.memref_slice %arg6[%dma_start3A_905, %dma_start3A_906, %dma_start3A_907] : memref<3x1024x32xf32, #tpu.memory_space<vmem>> -> memref<1x1024x32xf32, #tpu.memory_space<vmem>>
      %dma_start3A_909 = tpu.memref_squeeze %dma_start3A_908 : memref<1x1024x32xf32, #tpu.memory_space<vmem>> -> memref<1024x32xf32, #tpu.memory_space<vmem>>
      %dma_start3A_910 = arith.constant 0 : i32
      %dma_start3A_911 = tpu.memref_slice %arg4[%add3A_904, %dma_start3A_910] : memref<819200x32xf32, #tpu.memory_space<hbm>> -> memref<1024x32xf32, #tpu.memory_space<hbm>>
      %dma_start3A_912 = arith.constant 0 : i32
      %dma_start3A_913 = tpu.memref_slice %arg4[%add3A_904, %dma_start3A_912] : memref<819200x32xf32, #tpu.memory_space<hbm>> -> memref<1024x32xf32, #tpu.memory_space<hbm>>
      %dma_start3A_914 = arith.constant 0 : i32
      %dma_start3A_915 = arith.constant 0 : i32
      %dma_start3A_916 = tpu.memref_slice %arg6[%dma_start3A_905, %dma_start3A_914, %dma_start3A_915] : memref<3x1024x32xf32, #tpu.memory_space<vmem>> -> memref<1x1024x32xf32, #tpu.memory_space<vmem>>
      %dma_start3A_917 = tpu.memref_squeeze %dma_start3A_916 : memref<1x1024x32xf32, #tpu.memory_space<vmem>> -> memref<1024x32xf32, #tpu.memory_space<vmem>>
      tpu.enqueue_dma source(%dma_start3A_917 : memref<1024x32xf32, #tpu.memory_space<vmem>>) target(%dma_start3A_913 : memref<1024x32xf32, #tpu.memory_space<hbm>>) target_semaphore(%arg10 : memref<!tpu.dma_semaphore, #tpu.memory_space<semaphore_mem>>)
      %dma_wait3A_918 = arith.constant 2 : i32
      %dma_wait3A_919 = arith.constant 0 : i32
      %dma_wait3A_920 = arith.constant 0 : i32
      %dma_wait3A_921 = tpu.memref_slice %arg6[%dma_wait3A_918, %dma_wait3A_919, %dma_wait3A_920] : memref<3x1024x32xf32, #tpu.memory_space<vmem>> -> memref<1x1024x32xf32, #tpu.memory_space<vmem>>
      %dma_wait3A_922 = tpu.memref_squeeze %dma_wait3A_921 : memref<1x1024x32xf32, #tpu.memory_space<vmem>> -> memref<1024x32xf32, #tpu.memory_space<vmem>>
      %dma_wait3A_923 = arith.constant 0 : i32
      %dma_wait3A_924 = arith.constant 0 : i32
      %dma_wait3A_925 = tpu.memref_slice %arg4[%dma_wait3A_923, %dma_wait3A_924] : memref<819200x32xf32, #tpu.memory_space<hbm>> -> memref<1024x32xf32, #tpu.memory_space<hbm>>
      %dma_wait3A_926 = arith.constant 0 : i32
      %dma_wait3A_927 = arith.constant 0 : i32
      %dma_wait3A_928 = tpu.memref_slice %arg4[%dma_wait3A_926, %dma_wait3A_927] : memref<819200x32xf32, #tpu.memory_space<hbm>> -> memref<1024x32xf32, #tpu.memory_space<hbm>>
      %dma_wait3A_929 = arith.constant 0 : i32
      %dma_wait3A_930 = arith.constant 0 : i32
      %dma_wait3A_931 = tpu.memref_slice %arg6[%dma_wait3A_918, %dma_wait3A_929, %dma_wait3A_930] : memref<3x1024x32xf32, #tpu.memory_space<vmem>> -> memref<1x1024x32xf32, #tpu.memory_space<vmem>>
      %dma_wait3A_932 = tpu.memref_squeeze %dma_wait3A_931 : memref<1x1024x32xf32, #tpu.memory_space<vmem>> -> memref<1024x32xf32, #tpu.memory_space<vmem>>
      tpu.wait_dma2 semaphore(%arg12 : memref<!tpu.dma_semaphore, #tpu.memory_space<semaphore_mem>>) src(%dma_wait3A_932 : memref<1024x32xf32, #tpu.memory_space<vmem>>) dst(%dma_wait3A_928 : memref<1024x32xf32, #tpu.memory_space<hbm>>)
      %add3A_933 = arith.constant 3 : i32
      %add3A_934 = arith.addi %add3A_579, %add3A_933 : i32
      %mul3A_935 = arith.constant 8 : i32
      %mul3A_936 = arith.muli %add3A_934, %mul3A_935 : i32
      %add3A_937 = arith.constant 0 : i32
      %add3A_938 = arith.addi %mul3A_936, %add3A_937 : i32
      %dma_start3A_939 = arith.constant 2 : i32
      %dma_start3A_940 = arith.constant 0 : i32
      %dma_start3A_941 = arith.constant 0 : i32
      %dma_start3A_942 = tpu.memref_slice %arg6[%dma_start3A_939, %dma_start3A_940, %dma_start3A_941] : memref<3x1024x32xf32, #tpu.memory_space<vmem>> -> memref<1x128x32xf32, #tpu.memory_space<vmem>>
      %dma_start3A_943 = tpu.memref_squeeze %dma_start3A_942 : memref<1x128x32xf32, #tpu.memory_space<vmem>> -> memref<128x32xf32, #tpu.memory_space<vmem>>
      %dma_start3A_944 = arith.constant 0 : i32
      %dma_start3A_945 = tpu.memref_slice %arg5[%add3A_938, %dma_start3A_944] : memref<200x128xi32, #tpu.memory_space<vmem>> -> memref<1x128xi32, #tpu.memory_space<vmem>>
      %dma_start3A_946 = tpu.memref_squeeze %dma_start3A_945 : memref<1x128xi32, #tpu.memory_space<vmem>> -> memref<128xi32, #tpu.memory_space<vmem>>
      %dma_start3A_947 = arith.constant 0 : i32
      %dma_start3A_948 = arith.constant 0 : i32
      %dma_start3A_949 = tpu.memref_slice %arg3[%dma_start3A_947, %dma_start3A_948] : memref<1000000x32xf32, #tpu.memory_space<hbm>> -> memref<1000000x32xf32, #tpu.memory_space<hbm>>
      tpu.enqueue_indirect_dma source(%dma_start3A_949 : memref<1000000x32xf32, #tpu.memory_space<hbm>>) target(%dma_start3A_943 : memref<128x32xf32, #tpu.memory_space<vmem>>) offsets(%dma_start3A_946 : memref<128xi32, #tpu.memory_space<vmem>>) semaphore(%arg9 : memref<!tpu.dma_semaphore, #tpu.memory_space<semaphore_mem>>)
      %mul3A_950 = arith.constant 8 : i32
      %mul3A_951 = arith.muli %add3A_934, %mul3A_950 : i32
      %add3A_952 = arith.constant 1 : i32
      %add3A_953 = arith.addi %mul3A_951, %add3A_952 : i32
      %dma_start3A_954 = arith.constant 2 : i32
      %dma_start3A_955 = arith.constant 128 : i32
      %dma_start3A_956 = arith.constant 0 : i32
      %dma_start3A_957 = tpu.memref_slice %arg6[%dma_start3A_954, %dma_start3A_955, %dma_start3A_956] : memref<3x1024x32xf32, #tpu.memory_space<vmem>> -> memref<1x128x32xf32, #tpu.memory_space<vmem>>
      %dma_start3A_958 = tpu.memref_squeeze %dma_start3A_957 : memref<1x128x32xf32, #tpu.memory_space<vmem>> -> memref<128x32xf32, #tpu.memory_space<vmem>>
      %dma_start3A_959 = arith.constant 0 : i32
      %dma_start3A_960 = tpu.memref_slice %arg5[%add3A_953, %dma_start3A_959] : memref<200x128xi32, #tpu.memory_space<vmem>> -> memref<1x128xi32, #tpu.memory_space<vmem>>
      %dma_start3A_961 = tpu.memref_squeeze %dma_start3A_960 : memref<1x128xi32, #tpu.memory_space<vmem>> -> memref<128xi32, #tpu.memory_space<vmem>>
      %dma_start3A_962 = arith.constant 0 : i32
      %dma_start3A_963 = arith.constant 0 : i32
      %dma_start3A_964 = tpu.memref_slice %arg3[%dma_start3A_962, %dma_start3A_963] : memref<1000000x32xf32, #tpu.memory_space<hbm>> -> memref<1000000x32xf32, #tpu.memory_space<hbm>>
      tpu.enqueue_indirect_dma source(%dma_start3A_964 : memref<1000000x32xf32, #tpu.memory_space<hbm>>) target(%dma_start3A_958 : memref<128x32xf32, #tpu.memory_space<vmem>>) offsets(%dma_start3A_961 : memref<128xi32, #tpu.memory_space<vmem>>) semaphore(%arg9 : memref<!tpu.dma_semaphore, #tpu.memory_space<semaphore_mem>>)
      %mul3A_965 = arith.constant 8 : i32
      %mul3A_966 = arith.muli %add3A_934, %mul3A_965 : i32
      %add3A_967 = arith.constant 2 : i32
      %add3A_968 = arith.addi %mul3A_966, %add3A_967 : i32
      %dma_start3A_969 = arith.constant 2 : i32
      %dma_start3A_970 = arith.constant 256 : i32
      %dma_start3A_971 = arith.constant 0 : i32
      %dma_start3A_972 = tpu.memref_slice %arg6[%dma_start3A_969, %dma_start3A_970, %dma_start3A_971] : memref<3x1024x32xf32, #tpu.memory_space<vmem>> -> memref<1x128x32xf32, #tpu.memory_space<vmem>>
      %dma_start3A_973 = tpu.memref_squeeze %dma_start3A_972 : memref<1x128x32xf32, #tpu.memory_space<vmem>> -> memref<128x32xf32, #tpu.memory_space<vmem>>
      %dma_start3A_974 = arith.constant 0 : i32
      %dma_start3A_975 = tpu.memref_slice %arg5[%add3A_968, %dma_start3A_974] : memref<200x128xi32, #tpu.memory_space<vmem>> -> memref<1x128xi32, #tpu.memory_space<vmem>>
      %dma_start3A_976 = tpu.memref_squeeze %dma_start3A_975 : memref<1x128xi32, #tpu.memory_space<vmem>> -> memref<128xi32, #tpu.memory_space<vmem>>
      %dma_start3A_977 = arith.constant 0 : i32
      %dma_start3A_978 = arith.constant 0 : i32
      %dma_start3A_979 = tpu.memref_slice %arg3[%dma_start3A_977, %dma_start3A_978] : memref<1000000x32xf32, #tpu.memory_space<hbm>> -> memref<1000000x32xf32, #tpu.memory_space<hbm>>
      tpu.enqueue_indirect_dma source(%dma_start3A_979 : memref<1000000x32xf32, #tpu.memory_space<hbm>>) target(%dma_start3A_973 : memref<128x32xf32, #tpu.memory_space<vmem>>) offsets(%dma_start3A_976 : memref<128xi32, #tpu.memory_space<vmem>>) semaphore(%arg9 : memref<!tpu.dma_semaphore, #tpu.memory_space<semaphore_mem>>)
      %mul3A_980 = arith.constant 8 : i32
      %mul3A_981 = arith.muli %add3A_934, %mul3A_980 : i32
      %add3A_982 = arith.constant 3 : i32
      %add3A_983 = arith.addi %mul3A_981, %add3A_982 : i32
      %dma_start3A_984 = arith.constant 2 : i32
      %dma_start3A_985 = arith.constant 384 : i32
      %dma_start3A_986 = arith.constant 0 : i32
      %dma_start3A_987 = tpu.memref_slice %arg6[%dma_start3A_984, %dma_start3A_985, %dma_start3A_986] : memref<3x1024x32xf32, #tpu.memory_space<vmem>> -> memref<1x128x32xf32, #tpu.memory_space<vmem>>
      %dma_start3A_988 = tpu.memref_squeeze %dma_start3A_987 : memref<1x128x32xf32, #tpu.memory_space<vmem>> -> memref<128x32xf32, #tpu.memory_space<vmem>>
      %dma_start3A_989 = arith.constant 0 : i32
      %dma_start3A_990 = tpu.memref_slice %arg5[%add3A_983, %dma_start3A_989] : memref<200x128xi32, #tpu.memory_space<vmem>> -> memref<1x128xi32, #tpu.memory_space<vmem>>
      %dma_start3A_991 = tpu.memref_squeeze %dma_start3A_990 : memref<1x128xi32, #tpu.memory_space<vmem>> -> memref<128xi32, #tpu.memory_space<vmem>>
      %dma_start3A_992 = arith.constant 0 : i32
      %dma_start3A_993 = arith.constant 0 : i32
      %dma_start3A_994 = tpu.memref_slice %arg3[%dma_start3A_992, %dma_start3A_993] : memref<1000000x32xf32, #tpu.memory_space<hbm>> -> memref<1000000x32xf32, #tpu.memory_space<hbm>>
      tpu.enqueue_indirect_dma source(%dma_start3A_994 : memref<1000000x32xf32, #tpu.memory_space<hbm>>) target(%dma_start3A_988 : memref<128x32xf32, #tpu.memory_space<vmem>>) offsets(%dma_start3A_991 : memref<128xi32, #tpu.memory_space<vmem>>) semaphore(%arg9 : memref<!tpu.dma_semaphore, #tpu.memory_space<semaphore_mem>>)
      %mul3A_995 = arith.constant 8 : i32
      %mul3A_996 = arith.muli %add3A_934, %mul3A_995 : i32
      %add3A_997 = arith.constant 4 : i32
      %add3A_998 = arith.addi %mul3A_996, %add3A_997 : i32
      %dma_start3A_999 = arith.constant 2 : i32
      %dma_start3A_1000 = arith.constant 512 : i32
      %dma_start3A_1001 = arith.constant 0 : i32
      %dma_start3A_1002 = tpu.memref_slice %arg6[%dma_start3A_999, %dma_start3A_1000, %dma_start3A_1001] : memref<3x1024x32xf32, #tpu.memory_space<vmem>> -> memref<1x128x32xf32, #tpu.memory_space<vmem>>
      %dma_start3A_1003 = tpu.memref_squeeze %dma_start3A_1002 : memref<1x128x32xf32, #tpu.memory_space<vmem>> -> memref<128x32xf32, #tpu.memory_space<vmem>>
      %dma_start3A_1004 = arith.constant 0 : i32
      %dma_start3A_1005 = tpu.memref_slice %arg5[%add3A_998, %dma_start3A_1004] : memref<200x128xi32, #tpu.memory_space<vmem>> -> memref<1x128xi32, #tpu.memory_space<vmem>>
      %dma_start3A_1006 = tpu.memref_squeeze %dma_start3A_1005 : memref<1x128xi32, #tpu.memory_space<vmem>> -> memref<128xi32, #tpu.memory_space<vmem>>
      %dma_start3A_1007 = arith.constant 0 : i32
      %dma_start3A_1008 = arith.constant 0 : i32
      %dma_start3A_1009 = tpu.memref_slice %arg3[%dma_start3A_1007, %dma_start3A_1008] : memref<1000000x32xf32, #tpu.memory_space<hbm>> -> memref<1000000x32xf32, #tpu.memory_space<hbm>>
      tpu.enqueue_indirect_dma source(%dma_start3A_1009 : memref<1000000x32xf32, #tpu.memory_space<hbm>>) target(%dma_start3A_1003 : memref<128x32xf32, #tpu.memory_space<vmem>>) offsets(%dma_start3A_1006 : memref<128xi32, #tpu.memory_space<vmem>>) semaphore(%arg9 : memref<!tpu.dma_semaphore, #tpu.memory_space<semaphore_mem>>)
      %mul3A_1010 = arith.constant 8 : i32
      %mul3A_1011 = arith.muli %add3A_934, %mul3A_1010 : i32
      %add3A_1012 = arith.constant 5 : i32
      %add3A_1013 = arith.addi %mul3A_1011, %add3A_1012 : i32
      %dma_start3A_1014 = arith.constant 2 : i32
      %dma_start3A_1015 = arith.constant 640 : i32
      %dma_start3A_1016 = arith.constant 0 : i32
      %dma_start3A_1017 = tpu.memref_slice %arg6[%dma_start3A_1014, %dma_start3A_1015, %dma_start3A_1016] : memref<3x1024x32xf32, #tpu.memory_space<vmem>> -> memref<1x128x32xf32, #tpu.memory_space<vmem>>
      %dma_start3A_1018 = tpu.memref_squeeze %dma_start3A_1017 : memref<1x128x32xf32, #tpu.memory_space<vmem>> -> memref<128x32xf32, #tpu.memory_space<vmem>>
      %dma_start3A_1019 = arith.constant 0 : i32
      %dma_start3A_1020 = tpu.memref_slice %arg5[%add3A_1013, %dma_start3A_1019] : memref<200x128xi32, #tpu.memory_space<vmem>> -> memref<1x128xi32, #tpu.memory_space<vmem>>
      %dma_start3A_1021 = tpu.memref_squeeze %dma_start3A_1020 : memref<1x128xi32, #tpu.memory_space<vmem>> -> memref<128xi32, #tpu.memory_space<vmem>>
      %dma_start3A_1022 = arith.constant 0 : i32
      %dma_start3A_1023 = arith.constant 0 : i32
      %dma_start3A_1024 = tpu.memref_slice %arg3[%dma_start3A_1022, %dma_start3A_1023] : memref<1000000x32xf32, #tpu.memory_space<hbm>> -> memref<1000000x32xf32, #tpu.memory_space<hbm>>
      tpu.enqueue_indirect_dma source(%dma_start3A_1024 : memref<1000000x32xf32, #tpu.memory_space<hbm>>) target(%dma_start3A_1018 : memref<128x32xf32, #tpu.memory_space<vmem>>) offsets(%dma_start3A_1021 : memref<128xi32, #tpu.memory_space<vmem>>) semaphore(%arg9 : memref<!tpu.dma_semaphore, #tpu.memory_space<semaphore_mem>>)
      %mul3A_1025 = arith.constant 8 : i32
      %mul3A_1026 = arith.muli %add3A_934, %mul3A_1025 : i32
      %add3A_1027 = arith.constant 6 : i32
      %add3A_1028 = arith.addi %mul3A_1026, %add3A_1027 : i32
      %dma_start3A_1029 = arith.constant 2 : i32
      %dma_start3A_1030 = arith.constant 768 : i32
      %dma_start3A_1031 = arith.constant 0 : i32
      %dma_start3A_1032 = tpu.memref_slice %arg6[%dma_start3A_1029, %dma_start3A_1030, %dma_start3A_1031] : memref<3x1024x32xf32, #tpu.memory_space<vmem>> -> memref<1x128x32xf32, #tpu.memory_space<vmem>>
      %dma_start3A_1033 = tpu.memref_squeeze %dma_start3A_1032 : memref<1x128x32xf32, #tpu.memory_space<vmem>> -> memref<128x32xf32, #tpu.memory_space<vmem>>
      %dma_start3A_1034 = arith.constant 0 : i32
      %dma_start3A_1035 = tpu.memref_slice %arg5[%add3A_1028, %dma_start3A_1034] : memref<200x128xi32, #tpu.memory_space<vmem>> -> memref<1x128xi32, #tpu.memory_space<vmem>>
      %dma_start3A_1036 = tpu.memref_squeeze %dma_start3A_1035 : memref<1x128xi32, #tpu.memory_space<vmem>> -> memref<128xi32, #tpu.memory_space<vmem>>
      %dma_start3A_1037 = arith.constant 0 : i32
      %dma_start3A_1038 = arith.constant 0 : i32
      %dma_start3A_1039 = tpu.memref_slice %arg3[%dma_start3A_1037, %dma_start3A_1038] : memref<1000000x32xf32, #tpu.memory_space<hbm>> -> memref<1000000x32xf32, #tpu.memory_space<hbm>>
      tpu.enqueue_indirect_dma source(%dma_start3A_1039 : memref<1000000x32xf32, #tpu.memory_space<hbm>>) target(%dma_start3A_1033 : memref<128x32xf32, #tpu.memory_space<vmem>>) offsets(%dma_start3A_1036 : memref<128xi32, #tpu.memory_space<vmem>>) semaphore(%arg9 : memref<!tpu.dma_semaphore, #tpu.memory_space<semaphore_mem>>)
      %mul3A_1040 = arith.constant 8 : i32
      %mul3A_1041 = arith.muli %add3A_934, %mul3A_1040 : i32
      %add3A_1042 = arith.constant 7 : i32
      %add3A_1043 = arith.addi %mul3A_1041, %add3A_1042 : i32
      %dma_start3A_1044 = arith.constant 2 : i32
      %dma_start3A_1045 = arith.constant 896 : i32
      %dma_start3A_1046 = arith.constant 0 : i32
      %dma_start3A_1047 = tpu.memref_slice %arg6[%dma_start3A_1044, %dma_start3A_1045, %dma_start3A_1046] : memref<3x1024x32xf32, #tpu.memory_space<vmem>> -> memref<1x128x32xf32, #tpu.memory_space<vmem>>
      %dma_start3A_1048 = tpu.memref_squeeze %dma_start3A_1047 : memref<1x128x32xf32, #tpu.memory_space<vmem>> -> memref<128x32xf32, #tpu.memory_space<vmem>>
      %dma_start3A_1049 = arith.constant 0 : i32
      %dma_start3A_1050 = tpu.memref_slice %arg5[%add3A_1043, %dma_start3A_1049] : memref<200x128xi32, #tpu.memory_space<vmem>> -> memref<1x128xi32, #tpu.memory_space<vmem>>
      %dma_start3A_1051 = tpu.memref_squeeze %dma_start3A_1050 : memref<1x128xi32, #tpu.memory_space<vmem>> -> memref<128xi32, #tpu.memory_space<vmem>>
      %dma_start3A_1052 = arith.constant 0 : i32
      %dma_start3A_1053 = arith.constant 0 : i32
      %dma_start3A_1054 = tpu.memref_slice %arg3[%dma_start3A_1052, %dma_start3A_1053] : memref<1000000x32xf32, #tpu.memory_space<hbm>> -> memref<1000000x32xf32, #tpu.memory_space<hbm>>
      tpu.enqueue_indirect_dma source(%dma_start3A_1054 : memref<1000000x32xf32, #tpu.memory_space<hbm>>) target(%dma_start3A_1048 : memref<128x32xf32, #tpu.memory_space<vmem>>) offsets(%dma_start3A_1051 : memref<128xi32, #tpu.memory_space<vmem>>) semaphore(%arg9 : memref<!tpu.dma_semaphore, #tpu.memory_space<semaphore_mem>>)
      %dma_wait3A_1055 = arith.constant 1 : i32
      %dma_wait3A_1056 = arith.constant 0 : i32
      %dma_wait3A_1057 = arith.constant 0 : i32
      %dma_wait3A_1058 = tpu.memref_slice %arg6[%dma_wait3A_1055, %dma_wait3A_1056, %dma_wait3A_1057] : memref<3x1024x32xf32, #tpu.memory_space<vmem>> -> memref<1x1024x32xf32, #tpu.memory_space<vmem>>
      %dma_wait3A_1059 = tpu.memref_squeeze %dma_wait3A_1058 : memref<1x1024x32xf32, #tpu.memory_space<vmem>> -> memref<1024x32xf32, #tpu.memory_space<vmem>>
      %dma_wait3A_1060 = arith.constant 0 : i32
      %dma_wait3A_1061 = arith.constant 0 : i32
      %dma_wait3A_1062 = tpu.memref_slice %arg4[%dma_wait3A_1060, %dma_wait3A_1061] : memref<819200x32xf32, #tpu.memory_space<hbm>> -> memref<1024x32xf32, #tpu.memory_space<hbm>>
      %dma_wait3A_1063 = arith.constant 0 : i32
      %dma_wait3A_1064 = arith.constant 0 : i32
      %dma_wait3A_1065 = tpu.memref_slice %arg6[%dma_wait3A_1055, %dma_wait3A_1063, %dma_wait3A_1064] : memref<3x1024x32xf32, #tpu.memory_space<vmem>> -> memref<1x1024x32xf32, #tpu.memory_space<vmem>>
      %dma_wait3A_1066 = tpu.memref_squeeze %dma_wait3A_1065 : memref<1x1024x32xf32, #tpu.memory_space<vmem>> -> memref<1024x32xf32, #tpu.memory_space<vmem>>
      %dma_wait3A_1067 = arith.constant 0 : i32
      %dma_wait3A_1068 = arith.constant 0 : i32
      %dma_wait3A_1069 = tpu.memref_slice %arg4[%dma_wait3A_1067, %dma_wait3A_1068] : memref<819200x32xf32, #tpu.memory_space<hbm>> -> memref<1024x32xf32, #tpu.memory_space<hbm>>
      tpu.wait_dma2 semaphore(%arg8 : memref<!tpu.dma_semaphore, #tpu.memory_space<semaphore_mem>>) src(%dma_wait3A_1069 : memref<1024x32xf32, #tpu.memory_space<hbm>>) dst(%dma_wait3A_1066 : memref<1024x32xf32, #tpu.memory_space<vmem>>)
      %add3A_1070 = arith.constant 2 : i32
      %add3A_1071 = arith.addi %add3A_579, %add3A_1070 : i32
      %mul3A_1072 = arith.constant 1024 : i32
      %mul3A_1073 = arith.muli %add3A_1071, %mul3A_1072 : i32
      %add3A_1074 = arith.addi %mul3A_4, %mul3A_1073 : i32
      %dma_start3A_1075 = arith.constant 1 : i32
      %dma_start3A_1076 = arith.constant 0 : i32
      %dma_start3A_1077 = arith.constant 0 : i32
      %dma_start3A_1078 = tpu.memref_slice %arg6[%dma_start3A_1075, %dma_start3A_1076, %dma_start3A_1077] : memref<3x1024x32xf32, #tpu.memory_space<vmem>> -> memref<1x1024x32xf32, #tpu.memory_space<vmem>>
      %dma_start3A_1079 = tpu.memref_squeeze %dma_start3A_1078 : memref<1x1024x32xf32, #tpu.memory_space<vmem>> -> memref<1024x32xf32, #tpu.memory_space<vmem>>
      %dma_start3A_1080 = arith.constant 0 : i32
      %dma_start3A_1081 = tpu.memref_slice %arg4[%add3A_1074, %dma_start3A_1080] : memref<819200x32xf32, #tpu.memory_space<hbm>> -> memref<1024x32xf32, #tpu.memory_space<hbm>>
      %dma_start3A_1082 = arith.constant 0 : i32
      %dma_start3A_1083 = tpu.memref_slice %arg4[%add3A_1074, %dma_start3A_1082] : memref<819200x32xf32, #tpu.memory_space<hbm>> -> memref<1024x32xf32, #tpu.memory_space<hbm>>
      %dma_start3A_1084 = arith.constant 0 : i32
      %dma_start3A_1085 = arith.constant 0 : i32
      %dma_start3A_1086 = tpu.memref_slice %arg6[%dma_start3A_1075, %dma_start3A_1084, %dma_start3A_1085] : memref<3x1024x32xf32, #tpu.memory_space<vmem>> -> memref<1x1024x32xf32, #tpu.memory_space<vmem>>
      %dma_start3A_1087 = tpu.memref_squeeze %dma_start3A_1086 : memref<1x1024x32xf32, #tpu.memory_space<vmem>> -> memref<1024x32xf32, #tpu.memory_space<vmem>>
      tpu.enqueue_dma source(%dma_start3A_1087 : memref<1024x32xf32, #tpu.memory_space<vmem>>) target(%dma_start3A_1083 : memref<1024x32xf32, #tpu.memory_space<hbm>>) target_semaphore(%arg11 : memref<!tpu.dma_semaphore, #tpu.memory_space<semaphore_mem>>)
    }
    %scan3A_354 = arith.constant 7 : i32
    %dma_wait3A_355 = arith.constant 0 : i32
    %dma_wait3A_356 = arith.constant 0 : i32
    %dma_wait3A_357 = arith.constant 0 : i32
    %dma_wait3A_358 = tpu.memref_slice %arg6[%dma_wait3A_355, %dma_wait3A_356, %dma_wait3A_357] : memref<3x1024x32xf32, #tpu.memory_space<vmem>> -> memref<1x1024x32xf32, #tpu.memory_space<vmem>>
    %dma_wait3A_359 = tpu.memref_squeeze %dma_wait3A_358 : memref<1x1024x32xf32, #tpu.memory_space<vmem>> -> memref<1024x32xf32, #tpu.memory_space<vmem>>
    %dma_wait3A_360 = arith.constant 0 : i32
    %dma_wait3A_361 = arith.constant 0 : i32
    %dma_wait3A_362 = tpu.memref_slice %arg4[%dma_wait3A_360, %dma_wait3A_361] : memref<819200x32xf32, #tpu.memory_space<hbm>> -> memref<1024x32xf32, #tpu.memory_space<hbm>>
    %dma_wait3A_363 = arith.constant 0 : i32
    %dma_wait3A_364 = arith.constant 0 : i32
    %dma_wait3A_365 = tpu.memref_slice %arg4[%dma_wait3A_363, %dma_wait3A_364] : memref<819200x32xf32, #tpu.memory_space<hbm>> -> memref<1024x32xf32, #tpu.memory_space<hbm>>
    %dma_wait3A_366 = arith.constant 0 : i32
    %dma_wait3A_367 = arith.constant 0 : i32
    %dma_wait3A_368 = tpu.memref_slice %arg6[%dma_wait3A_355, %dma_wait3A_366, %dma_wait3A_367] : memref<3x1024x32xf32, #tpu.memory_space<vmem>> -> memref<1x1024x32xf32, #tpu.memory_space<vmem>>
    %dma_wait3A_369 = tpu.memref_squeeze %dma_wait3A_368 : memref<1x1024x32xf32, #tpu.memory_space<vmem>> -> memref<1024x32xf32, #tpu.memory_space<vmem>>
    tpu.wait_dma2 semaphore(%arg10 : memref<!tpu.dma_semaphore, #tpu.memory_space<semaphore_mem>>) src(%dma_wait3A_369 : memref<1024x32xf32, #tpu.memory_space<vmem>>) dst(%dma_wait3A_365 : memref<1024x32xf32, #tpu.memory_space<hbm>>)
    %dma_start3A_370 = arith.constant 192 : i32
    %dma_start3A_371 = arith.constant 0 : i32
    %dma_start3A_372 = arith.constant 0 : i32
    %dma_start3A_373 = arith.constant 0 : i32
    %dma_start3A_374 = tpu.memref_slice %arg6[%dma_start3A_371, %dma_start3A_372, %dma_start3A_373] : memref<3x1024x32xf32, #tpu.memory_space<vmem>> -> memref<1x128x32xf32, #tpu.memory_space<vmem>>
    %dma_start3A_375 = tpu.memref_squeeze %dma_start3A_374 : memref<1x128x32xf32, #tpu.memory_space<vmem>> -> memref<128x32xf32, #tpu.memory_space<vmem>>
    %dma_start3A_376 = arith.constant 0 : i32
    %dma_start3A_377 = tpu.memref_slice %arg5[%dma_start3A_370, %dma_start3A_376] : memref<200x128xi32, #tpu.memory_space<vmem>> -> memref<1x128xi32, #tpu.memory_space<vmem>>
    %dma_start3A_378 = tpu.memref_squeeze %dma_start3A_377 : memref<1x128xi32, #tpu.memory_space<vmem>> -> memref<128xi32, #tpu.memory_space<vmem>>
    %dma_start3A_379 = arith.constant 0 : i32
    %dma_start3A_380 = arith.constant 0 : i32
    %dma_start3A_381 = tpu.memref_slice %arg3[%dma_start3A_379, %dma_start3A_380] : memref<1000000x32xf32, #tpu.memory_space<hbm>> -> memref<1000000x32xf32, #tpu.memory_space<hbm>>
    tpu.enqueue_indirect_dma source(%dma_start3A_381 : memref<1000000x32xf32, #tpu.memory_space<hbm>>) target(%dma_start3A_375 : memref<128x32xf32, #tpu.memory_space<vmem>>) offsets(%dma_start3A_378 : memref<128xi32, #tpu.memory_space<vmem>>) semaphore(%arg7 : memref<!tpu.dma_semaphore, #tpu.memory_space<semaphore_mem>>)
    %dma_start3A_382 = arith.constant 193 : i32
    %dma_start3A_383 = arith.constant 0 : i32
    %dma_start3A_384 = arith.constant 128 : i32
    %dma_start3A_385 = arith.constant 0 : i32
    %dma_start3A_386 = tpu.memref_slice %arg6[%dma_start3A_383, %dma_start3A_384, %dma_start3A_385] : memref<3x1024x32xf32, #tpu.memory_space<vmem>> -> memref<1x128x32xf32, #tpu.memory_space<vmem>>
    %dma_start3A_387 = tpu.memref_squeeze %dma_start3A_386 : memref<1x128x32xf32, #tpu.memory_space<vmem>> -> memref<128x32xf32, #tpu.memory_space<vmem>>
    %dma_start3A_388 = arith.constant 0 : i32
    %dma_start3A_389 = tpu.memref_slice %arg5[%dma_start3A_382, %dma_start3A_388] : memref<200x128xi32, #tpu.memory_space<vmem>> -> memref<1x128xi32, #tpu.memory_space<vmem>>
    %dma_start3A_390 = tpu.memref_squeeze %dma_start3A_389 : memref<1x128xi32, #tpu.memory_space<vmem>> -> memref<128xi32, #tpu.memory_space<vmem>>
    %dma_start3A_391 = arith.constant 0 : i32
    %dma_start3A_392 = arith.constant 0 : i32
    %dma_start3A_393 = tpu.memref_slice %arg3[%dma_start3A_391, %dma_start3A_392] : memref<1000000x32xf32, #tpu.memory_space<hbm>> -> memref<1000000x32xf32, #tpu.memory_space<hbm>>
    tpu.enqueue_indirect_dma source(%dma_start3A_393 : memref<1000000x32xf32, #tpu.memory_space<hbm>>) target(%dma_start3A_387 : memref<128x32xf32, #tpu.memory_space<vmem>>) offsets(%dma_start3A_390 : memref<128xi32, #tpu.memory_space<vmem>>) semaphore(%arg7 : memref<!tpu.dma_semaphore, #tpu.memory_space<semaphore_mem>>)
    %dma_start3A_394 = arith.constant 194 : i32
    %dma_start3A_395 = arith.constant 0 : i32
    %dma_start3A_396 = arith.constant 256 : i32
    %dma_start3A_397 = arith.constant 0 : i32
    %dma_start3A_398 = tpu.memref_slice %arg6[%dma_start3A_395, %dma_start3A_396, %dma_start3A_397] : memref<3x1024x32xf32, #tpu.memory_space<vmem>> -> memref<1x128x32xf32, #tpu.memory_space<vmem>>
    %dma_start3A_399 = tpu.memref_squeeze %dma_start3A_398 : memref<1x128x32xf32, #tpu.memory_space<vmem>> -> memref<128x32xf32, #tpu.memory_space<vmem>>
    %dma_start3A_400 = arith.constant 0 : i32
    %dma_start3A_401 = tpu.memref_slice %arg5[%dma_start3A_394, %dma_start3A_400] : memref<200x128xi32, #tpu.memory_space<vmem>> -> memref<1x128xi32, #tpu.memory_space<vmem>>
    %dma_start3A_402 = tpu.memref_squeeze %dma_start3A_401 : memref<1x128xi32, #tpu.memory_space<vmem>> -> memref<128xi32, #tpu.memory_space<vmem>>
    %dma_start3A_403 = arith.constant 0 : i32
    %dma_start3A_404 = arith.constant 0 : i32
    %dma_start3A_405 = tpu.memref_slice %arg3[%dma_start3A_403, %dma_start3A_404] : memref<1000000x32xf32, #tpu.memory_space<hbm>> -> memref<1000000x32xf32, #tpu.memory_space<hbm>>
    tpu.enqueue_indirect_dma source(%dma_start3A_405 : memref<1000000x32xf32, #tpu.memory_space<hbm>>) target(%dma_start3A_399 : memref<128x32xf32, #tpu.memory_space<vmem>>) offsets(%dma_start3A_402 : memref<128xi32, #tpu.memory_space<vmem>>) semaphore(%arg7 : memref<!tpu.dma_semaphore, #tpu.memory_space<semaphore_mem>>)
    %dma_start3A_406 = arith.constant 195 : i32
    %dma_start3A_407 = arith.constant 0 : i32
    %dma_start3A_408 = arith.constant 384 : i32
    %dma_start3A_409 = arith.constant 0 : i32
    %dma_start3A_410 = tpu.memref_slice %arg6[%dma_start3A_407, %dma_start3A_408, %dma_start3A_409] : memref<3x1024x32xf32, #tpu.memory_space<vmem>> -> memref<1x128x32xf32, #tpu.memory_space<vmem>>
    %dma_start3A_411 = tpu.memref_squeeze %dma_start3A_410 : memref<1x128x32xf32, #tpu.memory_space<vmem>> -> memref<128x32xf32, #tpu.memory_space<vmem>>
    %dma_start3A_412 = arith.constant 0 : i32
    %dma_start3A_413 = tpu.memref_slice %arg5[%dma_start3A_406, %dma_start3A_412] : memref<200x128xi32, #tpu.memory_space<vmem>> -> memref<1x128xi32, #tpu.memory_space<vmem>>
    %dma_start3A_414 = tpu.memref_squeeze %dma_start3A_413 : memref<1x128xi32, #tpu.memory_space<vmem>> -> memref<128xi32, #tpu.memory_space<vmem>>
    %dma_start3A_415 = arith.constant 0 : i32
    %dma_start3A_416 = arith.constant 0 : i32
    %dma_start3A_417 = tpu.memref_slice %arg3[%dma_start3A_415, %dma_start3A_416] : memref<1000000x32xf32, #tpu.memory_space<hbm>> -> memref<1000000x32xf32, #tpu.memory_space<hbm>>
    tpu.enqueue_indirect_dma source(%dma_start3A_417 : memref<1000000x32xf32, #tpu.memory_space<hbm>>) target(%dma_start3A_411 : memref<128x32xf32, #tpu.memory_space<vmem>>) offsets(%dma_start3A_414 : memref<128xi32, #tpu.memory_space<vmem>>) semaphore(%arg7 : memref<!tpu.dma_semaphore, #tpu.memory_space<semaphore_mem>>)
    %dma_start3A_418 = arith.constant 196 : i32
    %dma_start3A_419 = arith.constant 0 : i32
    %dma_start3A_420 = arith.constant 512 : i32
    %dma_start3A_421 = arith.constant 0 : i32
    %dma_start3A_422 = tpu.memref_slice %arg6[%dma_start3A_419, %dma_start3A_420, %dma_start3A_421] : memref<3x1024x32xf32, #tpu.memory_space<vmem>> -> memref<1x128x32xf32, #tpu.memory_space<vmem>>
    %dma_start3A_423 = tpu.memref_squeeze %dma_start3A_422 : memref<1x128x32xf32, #tpu.memory_space<vmem>> -> memref<128x32xf32, #tpu.memory_space<vmem>>
    %dma_start3A_424 = arith.constant 0 : i32
    %dma_start3A_425 = tpu.memref_slice %arg5[%dma_start3A_418, %dma_start3A_424] : memref<200x128xi32, #tpu.memory_space<vmem>> -> memref<1x128xi32, #tpu.memory_space<vmem>>
    %dma_start3A_426 = tpu.memref_squeeze %dma_start3A_425 : memref<1x128xi32, #tpu.memory_space<vmem>> -> memref<128xi32, #tpu.memory_space<vmem>>
    %dma_start3A_427 = arith.constant 0 : i32
    %dma_start3A_428 = arith.constant 0 : i32
    %dma_start3A_429 = tpu.memref_slice %arg3[%dma_start3A_427, %dma_start3A_428] : memref<1000000x32xf32, #tpu.memory_space<hbm>> -> memref<1000000x32xf32, #tpu.memory_space<hbm>>
    tpu.enqueue_indirect_dma source(%dma_start3A_429 : memref<1000000x32xf32, #tpu.memory_space<hbm>>) target(%dma_start3A_423 : memref<128x32xf32, #tpu.memory_space<vmem>>) offsets(%dma_start3A_426 : memref<128xi32, #tpu.memory_space<vmem>>) semaphore(%arg7 : memref<!tpu.dma_semaphore, #tpu.memory_space<semaphore_mem>>)
    %dma_start3A_430 = arith.constant 197 : i32
    %dma_start3A_431 = arith.constant 0 : i32
    %dma_start3A_432 = arith.constant 640 : i32
    %dma_start3A_433 = arith.constant 0 : i32
    %dma_start3A_434 = tpu.memref_slice %arg6[%dma_start3A_431, %dma_start3A_432, %dma_start3A_433] : memref<3x1024x32xf32, #tpu.memory_space<vmem>> -> memref<1x128x32xf32, #tpu.memory_space<vmem>>
    %dma_start3A_435 = tpu.memref_squeeze %dma_start3A_434 : memref<1x128x32xf32, #tpu.memory_space<vmem>> -> memref<128x32xf32, #tpu.memory_space<vmem>>
    %dma_start3A_436 = arith.constant 0 : i32
    %dma_start3A_437 = tpu.memref_slice %arg5[%dma_start3A_430, %dma_start3A_436] : memref<200x128xi32, #tpu.memory_space<vmem>> -> memref<1x128xi32, #tpu.memory_space<vmem>>
    %dma_start3A_438 = tpu.memref_squeeze %dma_start3A_437 : memref<1x128xi32, #tpu.memory_space<vmem>> -> memref<128xi32, #tpu.memory_space<vmem>>
    %dma_start3A_439 = arith.constant 0 : i32
    %dma_start3A_440 = arith.constant 0 : i32
    %dma_start3A_441 = tpu.memref_slice %arg3[%dma_start3A_439, %dma_start3A_440] : memref<1000000x32xf32, #tpu.memory_space<hbm>> -> memref<1000000x32xf32, #tpu.memory_space<hbm>>
    tpu.enqueue_indirect_dma source(%dma_start3A_441 : memref<1000000x32xf32, #tpu.memory_space<hbm>>) target(%dma_start3A_435 : memref<128x32xf32, #tpu.memory_space<vmem>>) offsets(%dma_start3A_438 : memref<128xi32, #tpu.memory_space<vmem>>) semaphore(%arg7 : memref<!tpu.dma_semaphore, #tpu.memory_space<semaphore_mem>>)
    %dma_start3A_442 = arith.constant 198 : i32
    %dma_start3A_443 = arith.constant 0 : i32
    %dma_start3A_444 = arith.constant 768 : i32
    %dma_start3A_445 = arith.constant 0 : i32
    %dma_start3A_446 = tpu.memref_slice %arg6[%dma_start3A_443, %dma_start3A_444, %dma_start3A_445] : memref<3x1024x32xf32, #tpu.memory_space<vmem>> -> memref<1x128x32xf32, #tpu.memory_space<vmem>>
    %dma_start3A_447 = tpu.memref_squeeze %dma_start3A_446 : memref<1x128x32xf32, #tpu.memory_space<vmem>> -> memref<128x32xf32, #tpu.memory_space<vmem>>
    %dma_start3A_448 = arith.constant 0 : i32
    %dma_start3A_449 = tpu.memref_slice %arg5[%dma_start3A_442, %dma_start3A_448] : memref<200x128xi32, #tpu.memory_space<vmem>> -> memref<1x128xi32, #tpu.memory_space<vmem>>
    %dma_start3A_450 = tpu.memref_squeeze %dma_start3A_449 : memref<1x128xi32, #tpu.memory_space<vmem>> -> memref<128xi32, #tpu.memory_space<vmem>>
    %dma_start3A_451 = arith.constant 0 : i32
    %dma_start3A_452 = arith.constant 0 : i32
    %dma_start3A_453 = tpu.memref_slice %arg3[%dma_start3A_451, %dma_start3A_452] : memref<1000000x32xf32, #tpu.memory_space<hbm>> -> memref<1000000x32xf32, #tpu.memory_space<hbm>>
    tpu.enqueue_indirect_dma source(%dma_start3A_453 : memref<1000000x32xf32, #tpu.memory_space<hbm>>) target(%dma_start3A_447 : memref<128x32xf32, #tpu.memory_space<vmem>>) offsets(%dma_start3A_450 : memref<128xi32, #tpu.memory_space<vmem>>) semaphore(%arg7 : memref<!tpu.dma_semaphore, #tpu.memory_space<semaphore_mem>>)
    %dma_start3A_454 = arith.constant 199 : i32
    %dma_start3A_455 = arith.constant 0 : i32
    %dma_start3A_456 = arith.constant 896 : i32
    %dma_start3A_457 = arith.constant 0 : i32
    %dma_start3A_458 = tpu.memref_slice %arg6[%dma_start3A_455, %dma_start3A_456, %dma_start3A_457] : memref<3x1024x32xf32, #tpu.memory_space<vmem>> -> memref<1x128x32xf32, #tpu.memory_space<vmem>>
    %dma_start3A_459 = tpu.memref_squeeze %dma_start3A_458 : memref<1x128x32xf32, #tpu.memory_space<vmem>> -> memref<128x32xf32, #tpu.memory_space<vmem>>
    %dma_start3A_460 = arith.constant 0 : i32
    %dma_start3A_461 = tpu.memref_slice %arg5[%dma_start3A_454, %dma_start3A_460] : memref<200x128xi32, #tpu.memory_space<vmem>> -> memref<1x128xi32, #tpu.memory_space<vmem>>
    %dma_start3A_462 = tpu.memref_squeeze %dma_start3A_461 : memref<1x128xi32, #tpu.memory_space<vmem>> -> memref<128xi32, #tpu.memory_space<vmem>>
    %dma_start3A_463 = arith.constant 0 : i32
    %dma_start3A_464 = arith.constant 0 : i32
    %dma_start3A_465 = tpu.memref_slice %arg3[%dma_start3A_463, %dma_start3A_464] : memref<1000000x32xf32, #tpu.memory_space<hbm>> -> memref<1000000x32xf32, #tpu.memory_space<hbm>>
    tpu.enqueue_indirect_dma source(%dma_start3A_465 : memref<1000000x32xf32, #tpu.memory_space<hbm>>) target(%dma_start3A_459 : memref<128x32xf32, #tpu.memory_space<vmem>>) offsets(%dma_start3A_462 : memref<128xi32, #tpu.memory_space<vmem>>) semaphore(%arg7 : memref<!tpu.dma_semaphore, #tpu.memory_space<semaphore_mem>>)
    %dma_wait3A_466 = arith.constant 2 : i32
    %dma_wait3A_467 = arith.constant 0 : i32
    %dma_wait3A_468 = arith.constant 0 : i32
    %dma_wait3A_469 = tpu.memref_slice %arg6[%dma_wait3A_466, %dma_wait3A_467, %dma_wait3A_468] : memref<3x1024x32xf32, #tpu.memory_space<vmem>> -> memref<1x1024x32xf32, #tpu.memory_space<vmem>>
    %dma_wait3A_470 = tpu.memref_squeeze %dma_wait3A_469 : memref<1x1024x32xf32, #tpu.memory_space<vmem>> -> memref<1024x32xf32, #tpu.memory_space<vmem>>
    %dma_wait3A_471 = arith.constant 0 : i32
    %dma_wait3A_472 = arith.constant 0 : i32
    %dma_wait3A_473 = tpu.memref_slice %arg4[%dma_wait3A_471, %dma_wait3A_472] : memref<819200x32xf32, #tpu.memory_space<hbm>> -> memref<1024x32xf32, #tpu.memory_space<hbm>>
    %dma_wait3A_474 = arith.constant 0 : i32
    %dma_wait3A_475 = arith.constant 0 : i32
    %dma_wait3A_476 = tpu.memref_slice %arg6[%dma_wait3A_466, %dma_wait3A_474, %dma_wait3A_475] : memref<3x1024x32xf32, #tpu.memory_space<vmem>> -> memref<1x1024x32xf32, #tpu.memory_space<vmem>>
    %dma_wait3A_477 = tpu.memref_squeeze %dma_wait3A_476 : memref<1x1024x32xf32, #tpu.memory_space<vmem>> -> memref<1024x32xf32, #tpu.memory_space<vmem>>
    %dma_wait3A_478 = arith.constant 0 : i32
    %dma_wait3A_479 = arith.constant 0 : i32
    %dma_wait3A_480 = tpu.memref_slice %arg4[%dma_wait3A_478, %dma_wait3A_479] : memref<819200x32xf32, #tpu.memory_space<hbm>> -> memref<1024x32xf32, #tpu.memory_space<hbm>>
    tpu.wait_dma2 semaphore(%arg9 : memref<!tpu.dma_semaphore, #tpu.memory_space<semaphore_mem>>) src(%dma_wait3A_480 : memref<1024x32xf32, #tpu.memory_space<hbm>>) dst(%dma_wait3A_477 : memref<1024x32xf32, #tpu.memory_space<vmem>>)
    %add3A_481 = arith.constant 23552 : i32
    %add3A_482 = arith.addi %mul3A_4, %add3A_481 : i32
    %dma_start3A_483 = arith.constant 2 : i32
    %dma_start3A_484 = arith.constant 0 : i32
    %dma_start3A_485 = arith.constant 0 : i32
    %dma_start3A_486 = tpu.memref_slice %arg6[%dma_start3A_483, %dma_start3A_484, %dma_start3A_485] : memref<3x1024x32xf32, #tpu.memory_space<vmem>> -> memref<1x1024x32xf32, #tpu.memory_space<vmem>>
    %dma_start3A_487 = tpu.memref_squeeze %dma_start3A_486 : memref<1x1024x32xf32, #tpu.memory_space<vmem>> -> memref<1024x32xf32, #tpu.memory_space<vmem>>
    %dma_start3A_488 = arith.constant 0 : i32
    %dma_start3A_489 = tpu.memref_slice %arg4[%add3A_482, %dma_start3A_488] : memref<819200x32xf32, #tpu.memory_space<hbm>> -> memref<1024x32xf32, #tpu.memory_space<hbm>>
    %dma_start3A_490 = arith.constant 0 : i32
    %dma_start3A_491 = tpu.memref_slice %arg4[%add3A_482, %dma_start3A_490] : memref<819200x32xf32, #tpu.memory_space<hbm>> -> memref<1024x32xf32, #tpu.memory_space<hbm>>
    %dma_start3A_492 = arith.constant 0 : i32
    %dma_start3A_493 = arith.constant 0 : i32
    %dma_start3A_494 = tpu.memref_slice %arg6[%dma_start3A_483, %dma_start3A_492, %dma_start3A_493] : memref<3x1024x32xf32, #tpu.memory_space<vmem>> -> memref<1x1024x32xf32, #tpu.memory_space<vmem>>
    %dma_start3A_495 = tpu.memref_squeeze %dma_start3A_494 : memref<1x1024x32xf32, #tpu.memory_space<vmem>> -> memref<1024x32xf32, #tpu.memory_space<vmem>>
    tpu.enqueue_dma source(%dma_start3A_495 : memref<1024x32xf32, #tpu.memory_space<vmem>>) target(%dma_start3A_491 : memref<1024x32xf32, #tpu.memory_space<hbm>>) target_semaphore(%arg12 : memref<!tpu.dma_semaphore, #tpu.memory_space<semaphore_mem>>)
    %dma_wait3A_496 = arith.constant 0 : i32
    %dma_wait3A_497 = arith.constant 0 : i32
    %dma_wait3A_498 = arith.constant 0 : i32
    %dma_wait3A_499 = tpu.memref_slice %arg6[%dma_wait3A_496, %dma_wait3A_497, %dma_wait3A_498] : memref<3x1024x32xf32, #tpu.memory_space<vmem>> -> memref<1x1024x32xf32, #tpu.memory_space<vmem>>
    %dma_wait3A_500 = tpu.memref_squeeze %dma_wait3A_499 : memref<1x1024x32xf32, #tpu.memory_space<vmem>> -> memref<1024x32xf32, #tpu.memory_space<vmem>>
    %dma_wait3A_501 = arith.constant 0 : i32
    %dma_wait3A_502 = arith.constant 0 : i32
    %dma_wait3A_503 = tpu.memref_slice %arg4[%dma_wait3A_501, %dma_wait3A_502] : memref<819200x32xf32, #tpu.memory_space<hbm>> -> memref<1024x32xf32, #tpu.memory_space<hbm>>
    %dma_wait3A_504 = arith.constant 0 : i32
    %dma_wait3A_505 = arith.constant 0 : i32
    %dma_wait3A_506 = tpu.memref_slice %arg6[%dma_wait3A_496, %dma_wait3A_504, %dma_wait3A_505] : memref<3x1024x32xf32, #tpu.memory_space<vmem>> -> memref<1x1024x32xf32, #tpu.memory_space<vmem>>
    %dma_wait3A_507 = tpu.memref_squeeze %dma_wait3A_506 : memref<1x1024x32xf32, #tpu.memory_space<vmem>> -> memref<1024x32xf32, #tpu.memory_space<vmem>>
    %dma_wait3A_508 = arith.constant 0 : i32
    %dma_wait3A_509 = arith.constant 0 : i32
    %dma_wait3A_510 = tpu.memref_slice %arg4[%dma_wait3A_508, %dma_wait3A_509] : memref<819200x32xf32, #tpu.memory_space<hbm>> -> memref<1024x32xf32, #tpu.memory_space<hbm>>
    tpu.wait_dma2 semaphore(%arg7 : memref<!tpu.dma_semaphore, #tpu.memory_space<semaphore_mem>>) src(%dma_wait3A_510 : memref<1024x32xf32, #tpu.memory_space<hbm>>) dst(%dma_wait3A_507 : memref<1024x32xf32, #tpu.memory_space<vmem>>)
    %add3A_511 = arith.constant 24576 : i32
    %add3A_512 = arith.addi %mul3A_4, %add3A_511 : i32
    %dma_start3A_513 = arith.constant 0 : i32
    %dma_start3A_514 = arith.constant 0 : i32
    %dma_start3A_515 = arith.constant 0 : i32
    %dma_start3A_516 = tpu.memref_slice %arg6[%dma_start3A_513, %dma_start3A_514, %dma_start3A_515] : memref<3x1024x32xf32, #tpu.memory_space<vmem>> -> memref<1x1024x32xf32, #tpu.memory_space<vmem>>
    %dma_start3A_517 = tpu.memref_squeeze %dma_start3A_516 : memref<1x1024x32xf32, #tpu.memory_space<vmem>> -> memref<1024x32xf32, #tpu.memory_space<vmem>>
    %dma_start3A_518 = arith.constant 0 : i32
    %dma_start3A_519 = tpu.memref_slice %arg4[%add3A_512, %dma_start3A_518] : memref<819200x32xf32, #tpu.memory_space<hbm>> -> memref<1024x32xf32, #tpu.memory_space<hbm>>
    %dma_start3A_520 = arith.constant 0 : i32
    %dma_start3A_521 = tpu.memref_slice %arg4[%add3A_512, %dma_start3A_520] : memref<819200x32xf32, #tpu.memory_space<hbm>> -> memref<1024x32xf32, #tpu.memory_space<hbm>>
    %dma_start3A_522 = arith.constant 0 : i32
    %dma_start3A_523 = arith.constant 0 : i32
    %dma_start3A_524 = tpu.memref_slice %arg6[%dma_start3A_513, %dma_start3A_522, %dma_start3A_523] : memref<3x1024x32xf32, #tpu.memory_space<vmem>> -> memref<1x1024x32xf32, #tpu.memory_space<vmem>>
    %dma_start3A_525 = tpu.memref_squeeze %dma_start3A_524 : memref<1x1024x32xf32, #tpu.memory_space<vmem>> -> memref<1024x32xf32, #tpu.memory_space<vmem>>
    tpu.enqueue_dma source(%dma_start3A_525 : memref<1024x32xf32, #tpu.memory_space<vmem>>) target(%dma_start3A_521 : memref<1024x32xf32, #tpu.memory_space<hbm>>) target_semaphore(%arg10 : memref<!tpu.dma_semaphore, #tpu.memory_space<semaphore_mem>>)
    %dma_wait3A_526 = arith.constant 1 : i32
    %dma_wait3A_527 = arith.constant 0 : i32
    %dma_wait3A_528 = arith.constant 0 : i32
    %dma_wait3A_529 = tpu.memref_slice %arg6[%dma_wait3A_526, %dma_wait3A_527, %dma_wait3A_528] : memref<3x1024x32xf32, #tpu.memory_space<vmem>> -> memref<1x1024x32xf32, #tpu.memory_space<vmem>>
    %dma_wait3A_530 = tpu.memref_squeeze %dma_wait3A_529 : memref<1x1024x32xf32, #tpu.memory_space<vmem>> -> memref<1024x32xf32, #tpu.memory_space<vmem>>
    %dma_wait3A_531 = arith.constant 0 : i32
    %dma_wait3A_532 = arith.constant 0 : i32
    %dma_wait3A_533 = tpu.memref_slice %arg4[%dma_wait3A_531, %dma_wait3A_532] : memref<819200x32xf32, #tpu.memory_space<hbm>> -> memref<1024x32xf32, #tpu.memory_space<hbm>>
    %dma_wait3A_534 = arith.constant 0 : i32
    %dma_wait3A_535 = arith.constant 0 : i32
    %dma_wait3A_536 = tpu.memref_slice %arg4[%dma_wait3A_534, %dma_wait3A_535] : memref<819200x32xf32, #tpu.memory_space<hbm>> -> memref<1024x32xf32, #tpu.memory_space<hbm>>
    %dma_wait3A_537 = arith.constant 0 : i32
    %dma_wait3A_538 = arith.constant 0 : i32
    %dma_wait3A_539 = tpu.memref_slice %arg6[%dma_wait3A_526, %dma_wait3A_537, %dma_wait3A_538] : memref<3x1024x32xf32, #tpu.memory_space<vmem>> -> memref<1x1024x32xf32, #tpu.memory_space<vmem>>
    %dma_wait3A_540 = tpu.memref_squeeze %dma_wait3A_539 : memref<1x1024x32xf32, #tpu.memory_space<vmem>> -> memref<1024x32xf32, #tpu.memory_space<vmem>>
    tpu.wait_dma2 semaphore(%arg11 : memref<!tpu.dma_semaphore, #tpu.memory_space<semaphore_mem>>) src(%dma_wait3A_540 : memref<1024x32xf32, #tpu.memory_space<vmem>>) dst(%dma_wait3A_536 : memref<1024x32xf32, #tpu.memory_space<hbm>>)
    %dma_wait3A_541 = arith.constant 2 : i32
    %dma_wait3A_542 = arith.constant 0 : i32
    %dma_wait3A_543 = arith.constant 0 : i32
    %dma_wait3A_544 = tpu.memref_slice %arg6[%dma_wait3A_541, %dma_wait3A_542, %dma_wait3A_543] : memref<3x1024x32xf32, #tpu.memory_space<vmem>> -> memref<1x1024x32xf32, #tpu.memory_space<vmem>>
    %dma_wait3A_545 = tpu.memref_squeeze %dma_wait3A_544 : memref<1x1024x32xf32, #tpu.memory_space<vmem>> -> memref<1024x32xf32, #tpu.memory_space<vmem>>
    %dma_wait3A_546 = arith.constant 0 : i32
    %dma_wait3A_547 = arith.constant 0 : i32
    %dma_wait3A_548 = tpu.memref_slice %arg4[%dma_wait3A_546, %dma_wait3A_547] : memref<819200x32xf32, #tpu.memory_space<hbm>> -> memref<1024x32xf32, #tpu.memory_space<hbm>>
    %dma_wait3A_549 = arith.constant 0 : i32
    %dma_wait3A_550 = arith.constant 0 : i32
    %dma_wait3A_551 = tpu.memref_slice %arg4[%dma_wait3A_549, %dma_wait3A_550] : memref<819200x32xf32, #tpu.memory_space<hbm>> -> memref<1024x32xf32, #tpu.memory_space<hbm>>
    %dma_wait3A_552 = arith.constant 0 : i32
    %dma_wait3A_553 = arith.constant 0 : i32
    %dma_wait3A_554 = tpu.memref_slice %arg6[%dma_wait3A_541, %dma_wait3A_552, %dma_wait3A_553] : memref<3x1024x32xf32, #tpu.memory_space<vmem>> -> memref<1x1024x32xf32, #tpu.memory_space<vmem>>
    %dma_wait3A_555 = tpu.memref_squeeze %dma_wait3A_554 : memref<1x1024x32xf32, #tpu.memory_space<vmem>> -> memref<1024x32xf32, #tpu.memory_space<vmem>>
    tpu.wait_dma2 semaphore(%arg12 : memref<!tpu.dma_semaphore, #tpu.memory_space<semaphore_mem>>) src(%dma_wait3A_555 : memref<1024x32xf32, #tpu.memory_space<vmem>>) dst(%dma_wait3A_551 : memref<1024x32xf32, #tpu.memory_space<hbm>>)
    %dma_wait3A_556 = arith.constant 0 : i32
    %dma_wait3A_557 = arith.constant 0 : i32
    %dma_wait3A_558 = arith.constant 0 : i32
    %dma_wait3A_559 = tpu.memref_slice %arg6[%dma_wait3A_556, %dma_wait3A_557, %dma_wait3A_558] : memref<3x1024x32xf32, #tpu.memory_space<vmem>> -> memref<1x1024x32xf32, #tpu.memory_space<vmem>>
    %dma_wait3A_560 = tpu.memref_squeeze %dma_wait3A_559 : memref<1x1024x32xf32, #tpu.memory_space<vmem>> -> memref<1024x32xf32, #tpu.memory_space<vmem>>
    %dma_wait3A_561 = arith.constant 0 : i32
    %dma_wait3A_562 = arith.constant 0 : i32
    %dma_wait3A_563 = tpu.memref_slice %arg4[%dma_wait3A_561, %dma_wait3A_562] : memref<819200x32xf32, #tpu.memory_space<hbm>> -> memref<1024x32xf32, #tpu.memory_space<hbm>>
    %dma_wait3A_564 = arith.constant 0 : i32
    %dma_wait3A_565 = arith.constant 0 : i32
    %dma_wait3A_566 = tpu.memref_slice %arg4[%dma_wait3A_564, %dma_wait3A_565] : memref<819200x32xf32, #tpu.memory_space<hbm>> -> memref<1024x32xf32, #tpu.memory_space<hbm>>
    %dma_wait3A_567 = arith.constant 0 : i32
    %dma_wait3A_568 = arith.constant 0 : i32
    %dma_wait3A_569 = tpu.memref_slice %arg6[%dma_wait3A_556, %dma_wait3A_567, %dma_wait3A_568] : memref<3x1024x32xf32, #tpu.memory_space<vmem>> -> memref<1x1024x32xf32, #tpu.memory_space<vmem>>
    %dma_wait3A_570 = tpu.memref_squeeze %dma_wait3A_569 : memref<1x1024x32xf32, #tpu.memory_space<vmem>> -> memref<1024x32xf32, #tpu.memory_space<vmem>>
    tpu.wait_dma2 semaphore(%arg10 : memref<!tpu.dma_semaphore, #tpu.memory_space<semaphore_mem>>) src(%dma_wait3A_570 : memref<1024x32xf32, #tpu.memory_space<vmem>>) dst(%dma_wait3A_566 : memref<1024x32xf32, #tpu.memory_space<hbm>>)
    return
  }
}

</mosaic_0001>

<sc_bundles>
// kernel: kernel.3.cloned.1.call-start
scs
__scs_entry_jumppad:
0x0: {  	(pc) =	sbr.rel $0x88, $3  }
0x1: {  	(tag) =	ssettag $0x0;
	lr =	simm.s32 $0x1  }
0x2: {  	[smem:$0x3F9F] =	sst lr;
	_ =	strace $0xD0000000  }
0x3: {  	_ = 	snop  }
0x4: {  	_ = 	snop  }
0x5: {  	_ = 	snop  }
0x6: {  	_ = 	snop  }
0x7: {  	_ = 	snop  }
__scs_overlays_trampoline_lowered:
0x8: {  	[smem:$0x3FAE] =	sst s0  }
0x9: {  	[smem:$0x3FAF] =	sst s1  }
0xa: {  	[smem:$0x3FB0] =	sst s2  }
0xb: {  	[smem:$0x3FB1] =	sst s3  }
0xc: {  	[smem:$0x3FB2] =	sst s4  }
0xd: {  	[smem:$0x3FB3] =	sst s5  }
0xe: {  	[smem:$0x3FB4] =	sst s6  }
0xf: {  	[smem:$0x3FB5] =	sst s7  }
0x10: {  	[smem:$0x3FB6] =	sst s8  }
0x11: {  	[smem:$0x3FB7] =	sst s9;
	s0 =	simm.s32 @!p0 $0x0  }
0x12: {  	s1 =	sld [smem:$0x3F9D];
	s0 =	simm.s32 @p0 $0x1  }
0x13: {  	[smem:$0x3FB8] =	sst s0;
	s0 =	simm.s32 @!p1 $0x0  }
0x14: {  	s2 =	sld [smem:$0x3F9C];
	s0 =	simm.s32 @p1 $0x1  }
0x15: {  	[smem:$0x3FB9] =	sst s0;
	s0 =	simm.s32 @!p2 $0x0  }
0x16: {  	s3 =	sld [smem:$0x3FDB];
	s0 =	simm.s32 @p2 $0x1  }
0x17: {  	s4 =	simm.s32 $0x1BF5;
	[smem:$0x3FBB] =	sst s0  }
0x18: {  	s0 =	sld [smem:$0x3F9E];
	_ =	swait.ge [sflag:s4], $0x0  }
0x19: {  	s7 =	sld [smem:$0x3F9F]  }
0x1a: {  	s8 =	sadd.s32 $0xFFFFE003, lr  }
0x1b: {  	s9 =	sadd.s32 $0xFFFFFEF7, lr;
	s5 =	simm.s32 $0xFFFFFFFF;
	p2 =	slt.u32 s8, $0xFFFFF086  }
0x1c: {  	p1 =	slt.u32 s9, $0xF7A;
	s5 =	simm.s32 @!p2 $0x0  }
0x1d: {  	s5 =	simm.s32 @p1 $0x1;
	p0 =	seq.s32 s7, s2  }
0x1e: {  	s7 =	smul.u32 @!p0 $0xF7A, s2;
	p2 =	seq.s32 @!p0 s5, $0x0  }
0x1f: {  	s9 =	smul.u32 $0xF7A, s1;
	s8 =	simm.s32 @!p0 $0x1BF5;
	p2 =	por !p2, p0  }
0x20: {  	[sflag:s8] =	ssyncset.s32 @!p0 $0xFFFFF086;
	s6 =	sadd.s32 @!p0 s3, s7;
	s7 =	simm.s32 @!p0 $0x108  }
0x21: {  	s3 =	sadd.s32 s3, s9;
	s6 =	sadd.s32 @!p0 $0x88, s6;
	s7 =	simm.s32 @p2 $0x1082  }
0x22: {  	[simem:s7], [sflag:s8] =	dma.local @!p0 [hbm:s6], $0xF7A  }
0x23: {  	s9 =	sor.u32 $0xD0000000, s2;
	s6 =	simm.s32 $0x108;
	_ =	swait.ge @!p0 [sflag:s8], $0x0  }
0x24: {  	s3 =	sadd.s32 $0x88, s3;
	s6 =	simm.s32 @!p1 $0x1082;
	[sflag:s4] =	ssyncset.s32 $0xFFFFF086  }
0x25: {  	[simem:s6], [sflag:s4] =	dma.local [hbm:s3], $0xF7A  }
0x26: {  	[smem:$0x3F9F] =	sst s1;
	(tag) =	ssettag s2;
	_ =	strace s9  }
0x27: {  	s1 =	sld [smem:$0x3FAF]  }
0x28: {  	s2 =	sld [smem:$0x3FB0]  }
0x29: {  	s4 =	sld [smem:$0x3FB2]  }
0x2a: {  	p0 =	seq.s32 s5, $0x0;
	s5 =	sld [smem:$0x3FB3]  }
0x2b: {  	s6 =	sld [smem:$0x3FB4]  }
0x2c: {  	s7 =	sld [smem:$0x3FB5]  }
0x2d: {  	s3 =	simm.s32 $0x108;
	s8 =	sld [smem:$0x3FB6]  }
0x2e: {  	s3 =	simm.s32 @!p0 $0x1082;
	s9 =	sld [smem:$0x3FB7]  }
0x2f: {  	lr =	sadd.s32 s0, s3;
	s0 =	sld [smem:$0x3FAE]  }
0x30: {  	s3 =	sld [smem:$0x3FB1]  }
0x31: {  	[smem:$0x3FBA] =	sst s10  }
0x32: {  	s10 =	sld [smem:$0x3FB8];
	_ =	sdelay $0x3  }
0x33: {  	p0 =	seq.s32 s10, $0x1;
	s10 =	sld [smem:$0x3FBA];
	_ =	sdelay $0x3  }
0x34: {  	[smem:$0x3FBA] =	sst s10  }
0x35: {  	s10 =	sld [smem:$0x3FB9];
	_ =	sdelay $0x3  }
0x36: {  	p1 =	seq.s32 s10, $0x1;
	s10 =	sld [smem:$0x3FBA];
	_ =	sdelay $0x3  }
0x37: {  	[smem:$0x3FBA] =	sst s10  }
0x38: {  	s10 =	sld [smem:$0x3FBB]  }
0x39: {  	_ = 	snop;
	(pc) =	sbr.ind lr, $3  }
0x3a: {  	_ = 	snop  }
0x3b: {  	_ = 	snop  }
0x3c: {  	p2 =	seq.s32 s10, $0x1;
	s10 =	sld [smem:$0x3FBA]  }
0x3d: {  	_ =	shalt  }
0x3e: {  	_ =	shalt  }
0x3f: {  	_ =	shalt  }
0x40: {  	_ =	shalt  }
0x41: {  	_ =	shalt  }
0x42: {  	_ =	shalt  }
0x43: {  	_ =	shalt  }
0x44: {  	_ =	shalt  }
0x45: {  	_ =	shalt  }
0x46: {  	_ =	shalt  }
0x47: {  	_ =	shalt  }
0x48: {  	_ =	shalt  }
0x49: {  	_ =	shalt  }
0x4a: {  	_ =	shalt  }
0x4b: {  	_ =	shalt  }
0x4c: {  	_ =	shalt  }
0x4d: {  	_ =	shalt  }
0x4e: {  	_ =	shalt  }
0x4f: {  	_ =	shalt  }
0x50: {  	_ =	shalt  }
0x51: {  	_ =	shalt  }
0x52: {  	_ =	shalt  }
0x53: {  	_ =	shalt  }
0x54: {  	_ =	shalt  }
0x55: {  	_ =	shalt  }
0x56: {  	_ =	shalt  }
0x57: {  	_ =	shalt  }
0x58: {  	_ =	shalt  }
0x59: {  	_ =	shalt  }
0x5a: {  	_ =	shalt  }
0x5b: {  	_ =	shalt  }
0x5c: {  	_ =	shalt  }
0x5d: {  	_ =	shalt  }
0x5e: {  	_ =	shalt  }
0x5f: {  	_ =	shalt  }
0x60: {  	_ =	shalt  }
0x61: {  	_ =	shalt  }
0x62: {  	_ =	shalt  }
0x63: {  	_ =	shalt  }
0x64: {  	_ =	shalt  }
0x65: {  	_ =	shalt  }
0x66: {  	_ =	shalt  }
0x67: {  	_ =	shalt  }
0x68: {  	_ =	shalt  }
0x69: {  	_ =	shalt  }
0x6a: {  	_ =	shalt  }
0x6b: {  	_ =	shalt  }
0x6c: {  	_ =	shalt  }
0x6d: {  	_ =	shalt  }
0x6e: {  	_ =	shalt  }
0x6f: {  	_ =	shalt  }
0x70: {  	_ =	shalt  }
0x71: {  	_ =	shalt  }
0x72: {  	_ =	shalt  }
0x73: {  	_ =	shalt  }
0x74: {  	_ =	shalt  }
0x75: {  	_ =	shalt  }
0x76: {  	_ =	shalt  }
0x77: {  	_ =	shalt  }
0x78: {  	_ =	shalt  }
0x79: {  	_ =	shalt  }
0x7a: {  	_ =	shalt  }
0x7b: {  	_ =	shalt  }
0x7c: {  	_ =	shalt  }
0x7d: {  	_ =	shalt  }
0x7e: {  	_ =	shalt  }
0x7f: {  	_ =	shalt  }
0x80: {  	_ =	shalt  }
0x81: {  	_ =	shalt  }
0x82: {  	_ =	shalt  }
0x83: {  	_ =	shalt  }
0x84: {  	_ =	shalt  }
0x85: {  	_ =	shalt  }
0x86: {  	_ =	shalt  }
0x87: {  	_ =	shalt  }
.Lfunc_end0:
.L_simem_size_0:
called_computation.1_lowered:
.L_overlay_start_0:
0x88: {  	s2 =	sld [smem:$0x3FD9]  }
0x89: {  	s3 =	sld [smem:$0x3FFE];
	_ =	sdelay $0x1  }
0x8a: {  	s1 =	srdreg.scid  }
0x8b: {  	s0 =	sand.u32 $0x1, s1  }
0x8c: {  	s17 =	sshll.u32 s0, $0xA;
	s2 =	sadd.s32 s3, s2  }
0x8d: {  	s2 =	sadd.s32 s2, s17  }
0x8e: {  	[smem:$0x3FC6] =	sst s2  }
0x8f: {  	_ = 	snop  }
0x90: {  	s2 =	sld [smem:$0x3FD0];
	(tm) =	ssettm $0x1  }
0x91: {  	s18 =	sld [smem:$0x3FFB];
	_ =	sdelay $0x3  }
0x92: {  	_ =	strace s18  }
0x93: {  	s3 =	sld [smem:$0x3FFC];
	_ =	sdelay $0x3  }
0x94: {  	_ =	strace s3  }
0x95: {  	s3 =	sld [smem:$0x3FFD];
	_ =	sdelay $0x3  }
0x96: {  	_ =	strace s3  }
0x97: {  	_ =	strace $0x8FFFFFFF  }
0x98: {  	s19 =	sld [smem:$0x3FDB];
	_ =	sdelay $0x1  }
0x99: {  	s4 =	simm.s32 $_scs_section_size  }
0x9a: {  	s5 =	simm.s32 $_size__tile_overlayer_lowered;
	s6 =	simm.s32 $_tile_overlayer_lowered  }
0x9b: {  	s22 =	simm.s32 $0x1BFF;
	s21 =	sshll.u32 s6, $0x1;
	s3 =	sadd.s32 s4, s19  }
0x9c: {  	s7 =	simm.s32 $0x0;
	s20 =	sshll.u32 s5, $0x1;
	s5 =	sadd.s32 s21, s3  }
0x9d: {  	[timem:s7], [sflag:s22] =	dma.local [hbm:s5], s20  }
0x9e: {  	_ =	swait.ge [sflag:s22], s20  }
0x9f: {  	s4 =	ssub.s32 $0x0, s20;
	[sflag:s22] =	ssyncset.done $0x0  }
0xa0: {  	[sflag:s22] =	ssyncadd.s32 s4;
	_ =	sdelay $0x1  }
0xa1: {  	s23 =	simm.s32 $0x1B8B  }
0xa2: {  	_ =	swait.ge [sflag:s23], $0x1  }
0xa3: {  	[sflag:s23] =	ssyncset.done $0x0  }
0xa4: {  	s25 =	simm.s32 $0x1B8E;
	s24 =	sld [smem:$0x3FFE];
	[sflag:s23] =	ssyncadd.s32 $0xFFFFFFFF  }
0xa5: {  	s26 =	simm.s32 $execute0_lowered;
	[smem:$0x3FD2] =	sst s25  }
0xa6: {  	s5 =	sshll.u32 s26, $0x1;
	_ =	strace $0x80000046;
	[dreg:$0x1] =	wrdreg $0xFFFFFFFF  }
0xa7: {  	s28 =	simm.s32 $_size_execute0_lowered;
	s3 =	sadd.s32 s3, s5;
	[dreg:$0x0] =	wrdreg $0x0  }
0xa8: {  	s5 =	sshll.u32 s28, $0x1;
	[dreg:$0x2] =	wrdreg s3  }
0xa9: {  	[dreg:$0x3] =	wrdreg s5  }
0xaa: {  	[dreg:$0x4] =	wrdreg $0xC0  }
0xab: {  	_ =	task [dreg:s7], $0x5FFFF  }
0xac: {  	[dreg:$0x1] =	wrdreg $0xFFFFFFFF  }
0xad: {  	[dreg:$0x0] =	wrdreg $0x60  }
0xae: {  	[dreg:$0x2] =	wrdreg s24  }
0xaf: {  	[dreg:$0x3] =	wrdreg s2  }
0xb0: {  	[dreg:$0x4] =	wrdreg $0x9  }
0xb1: {  	_ =	task.clear_ibuf [dreg:s7], $0x5FFFF;
	_ =	strace $0x90000046  }
0xb2: {  	s29 =	simm.s32 $0x9;
	_ =	strace $0x80000048  }
0xb3: {  	_ =	swait.ge [sflag:s29], $0x1  }
0xb4: {  	[sflag:s29] =	ssyncadd.s32 $0xFFFFFFFF  }
0xb5: {  	_ =	strace $0x90000048  }
0xb6: {  	_ =	sfence  }
0xb7: {  	s30 =	sld [smem:$0x0];
	_ =	sdelay $0x2  }
0xb8: {  	s31 =	sshll.u32 s1, $0xD;
	s1 =	sshrl.u32 s1, $0x2  }
0xb9: {  	s3 =	sand.u32 $0x4000, s31;
	s1 =	sadd.s32 s1, s30  }
0xba: {  	s0 =	sor.u32 s3, s0;
	s1 =	sshll.u32 s1, $0x11  }
0xbb: {  	s0 =	sor.u32 s1, s0  }
0xbc: {  	s0 =	sadd.s32 $0x8F2B, s0  }
0xbd: {  	[sflag:s0] =	ssyncadd.remote.s32 $0x1  }
0xbe: {  	_ =	sfence.sel $0xFFFF  }
0xbf: {  	[dreg:$0x0] =	wrdreg $0xFFFFFFFF;
	(pc) =	sbr.abs _section_cstart, $3  }
0xc0: {  	[dreg:$0x1] =	wrdreg $0xFFFFFFFF  }
0xc1: {  	_ =	task.clear_ibuf [dreg:s7], $0x2FFFF;
	_ =	strace $0x9FFFFFFF  }
0xc2: {  	(tm) =	ssettm $0x7FFFFFFF  }
0xc3: {  	_ =	shalt  }
tec
execute0_lowered:
.L_overlay_start_1:
0x0: {  	(tag) =	ssettag $0x1  }
0x1: {  	s0 =	srdreg.scid  }
0x2: {  	s10 =	stileid.u32;
	s2 =	rddreg [dreg:$0x0]  }
0x3: {  	s21 =	rddreg [dreg:$0x1];
	s3 =	simm.s32 $0x0;
	s13 =	simm.s32 $0x80  }
0x4: {  	s14 =	simm.s32 $0x6400;
	s30 =	simm.s32 $0xE400;
	s16 =	simm.s32 $0x15400  }
0x5: {  	s18 =	simm.s32 $0x16400;
	s20 =	simm.s32 $0x17400;
	s19 =	simm.s32 $0x18400  }
0x6: {  	s29 =	simm.s32 $0x19400;
	s31 =	simm.s32 $0x1C400;
	s6 =	smul.u32 $0xC800, s10  }
0x7: {  	s0 =	sand.u32 $0x1, s0;
	s1 =	sshll.u32 s10, $0x1;
	s10 =	smul.u32 $0x190000, s10  }
0x8: {  	s12 =	simm.s32 $0x2;
	s11 =	simm.s32 $0x4;
	s9 =	smul.u32 $0x6400, s0  }
0x9: {  	s1 =	sor.u32 s0, s1;
	s8 =	ssub.s32 $0x2, s0;
	s0 =	smul.u32 $0xC8000, s0  }
0xa: {  	s15 =	simm.s32 $0x5;
	[smem:$0x7FF] =	sst s3;
	s4 =	smul.u32 $0xC80, s1  }
0xb: {  	s17 =	simm.s32 $0x6;
	_ =	strace $0x80000047;
	s5 =	smul.u32 $0x19000, s1  }
0xc: {  	s1 =	smul.u32 $0xC8000, s1;
	s22 =	sshrl.u32 s8, $0x1;
	s23 =	sadd.s32 s9, s6  }
0xd: {  	s0 =	sadd.s32 s0, s10;
	s9 =	simm.s32 $0x13400;
	s10 =	simm.s32 $0x14400  }
0xe: {  	s7 =	sadd.s32 s4, s2;
	s4 =	sadd.s32 $0xF42E00, s2;
	s2 =	ssub.s32 s8, s22  }
0xf: {  	s5 =	sadd.s32 s21, s5;
	s1 =	sshrl.u32 s1, $0x3;
	s25 =	sadd.s32 $0x20000, s0  }
0x10: {  	s0 =	sadd.s32 $0x18000, s0;
	s8 =	simm.s32 $0x12400;
	s22 =	simm.s32 $0x1A400  }
0x11: {  	s7 =	sadd.s32 $0xA00, s7;
	[dreg:$0x6] =	wrdreg s5;
	s1 =	sadd.s32 s21, s1  }
0x12: {  	s5 =	sshll.u32 s23, $0x2;
	s6 =	sshrl.u32 s25, $0x3;
	[dreg:$0xb] =	wrdreg s0  }
0x13: {  	s2 =	smax.u32 s2, $0x1;
	s0 =	simm.s32 $0x0;
	[dreg:$0x5] =	wrdreg s7  }
0x14: {  	s24 =	sadd.s32 $0x1000, s1;
	s5 =	sadd.s32 s21, s5;
	[dreg:$0xa] =	wrdreg s2  }
0x15: {  	s26 =	sadd.s32 $0x17000, s1;
	s1 =	sadd.s32 $0x18000, s1;
	[dreg:$0x7] =	wrdreg s24  }
0x16: {  	s28 =	sadd.s32 s6, s21;
	s6 =	simm.s32 $0x10400;
	[dreg:$0x8] =	wrdreg s26  }
0x17: {  	s7 =	simm.s32 $0x11400;
	s2 =	simm.s32 $0x3;
	[dreg:$0x9] =	wrdreg s1  }
0x18: {  	s5 =	sadd.s32 $0x2000, s5;
	[dreg:$0x4] =	wrdreg s28;
	s26 =	simm.s32 $0x1  }
0x19: {  	s24 =	simm.s32 $0x1B400;
	[dreg:$0x3] =	wrdreg s5;
	s5 =	simm.s32 $0xF400  }
.LBB2_1:
0x1a: {  	[dreg:$0xc] =	wrdreg s0  }
0x1b: {  	s1 =	rddreg [dreg:$0x5];
	s25 =	simm.s32 $0x7  }
0x1c: {  	[tilespmem:s3], [sflag:$0x7] =	stream.linear.gather [hbm4b:s1+s3], $0x6400, $0x38;
	[tilespmem:$0x1E400] =	vst v63  }
0x1d: {  	_ =	swait.ge [sflag:s25], $0x6400  }
0x1e: {  	[sflag:s25] =	ssyncset.done $0x0  }
0x1f: {  	[sflag:s25] =	ssyncadd.s32 $0xFFFF9C00  }
0x20: {  	[tilespmem:s14], [sflag:$0x1] =	stream.indirect.gather [hbm4b:s4+s13], $0x20, s3, s13, $0xb8;
	[tilespmem:$0x1E400] =	vst v63  }
0x21: {  	s23 =	simm.s32 $0x7400  }
0x22: {  	[tilespmem:s23], [sflag:$0x1] =	stream.indirect.gather [hbm4b:s4+s13], $0x20, s13, s13, $0xb8;
	[tilespmem:$0x1E400] =	vst v63  }
0x23: {  	s28 =	simm.s32 $0x100;
	s25 =	simm.s32 $0x8400  }
0x24: {  	[tilespmem:s25], [sflag:$0x1] =	stream.indirect.gather [hbm4b:s4+s13], $0x20, s28, s13, $0xb8;
	[tilespmem:$0x1E400] =	vst v63  }
0x25: {  	s0 =	simm.s32 $0x180;
	s28 =	simm.s32 $0x9400  }
0x26: {  	[tilespmem:s28], [sflag:$0x1] =	stream.indirect.gather [hbm4b:s4+s13], $0x20, s0, s13, $0xb8;
	[tilespmem:$0x1E400] =	vst v63  }
0x27: {  	s1 =	simm.s32 $0x200;
	s0 =	simm.s32 $0xA400  }
0x28: {  	[tilespmem:s0], [sflag:$0x1] =	stream.indirect.gather [hbm4b:s4+s13], $0x20, s1, s13, $0xb8;
	[tilespmem:$0x1E400] =	vst v63  }
0x29: {  	s1 =	simm.s32 $0x280;
	s0 =	simm.s32 $0xB400  }
0x2a: {  	[tilespmem:s0], [sflag:$0x1] =	stream.indirect.gather [hbm4b:s4+s13], $0x20, s1, s13, $0xb8;
	[tilespmem:$0x1E400] =	vst v63  }
0x2b: {  	s0 =	simm.s32 $0x300;
	s1 =	simm.s32 $0xC400  }
0x2c: {  	[tilespmem:s1], [sflag:$0x1] =	stream.indirect.gather [hbm4b:s4+s13], $0x20, s0, s13, $0xb8;
	[tilespmem:$0x1E400] =	vst v63  }
0x2d: {  	s0 =	simm.s32 $0x380;
	s1 =	simm.s32 $0xD400  }
0x2e: {  	[tilespmem:s1], [sflag:$0x1] =	stream.indirect.gather [hbm4b:s4+s13], $0x20, s0, s13, $0xb8;
	[tilespmem:$0x1E400] =	vst v63  }
0x2f: {  	s1 =	simm.s32 $0x400  }
0x30: {  	[tilespmem:s30], [sflag:$0x2] =	stream.indirect.gather [hbm4b:s4+s13], $0x20, s1, s13, $0xb8;
	[tilespmem:$0x1E400] =	vst v63  }
0x31: {  	s1 =	simm.s32 $0x480  }
0x32: {  	[tilespmem:s5], [sflag:$0x2] =	stream.indirect.gather [hbm4b:s4+s13], $0x20, s1, s13, $0xb8;
	[tilespmem:$0x1E400] =	vst v63  }
0x33: {  	s5 =	simm.s32 $0x500  }
0x34: {  	[tilespmem:s6], [sflag:$0x2] =	stream.indirect.gather [hbm4b:s4+s13], $0x20, s5, s13, $0xb8;
	[tilespmem:$0x1E400] =	vst v63  }
0x35: {  	s6 =	simm.s32 $0x580  }
0x36: {  	[tilespmem:s7], [sflag:$0x2] =	stream.indirect.gather [hbm4b:s4+s13], $0x20, s6, s13, $0xb8;
	[tilespmem:$0x1E400] =	vst v63  }
0x37: {  	s1 =	simm.s32 $0x600  }
0x38: {  	[tilespmem:s8], [sflag:$0x2] =	stream.indirect.gather [hbm4b:s4+s13], $0x20, s1, s13, $0xb8;
	[tilespmem:$0x1E400] =	vst v63  }
0x39: {  	s5 =	simm.s32 $0x680  }
0x3a: {  	[tilespmem:s9], [sflag:$0x2] =	stream.indirect.gather [hbm4b:s4+s13], $0x20, s5, s13, $0xb8;
	[tilespmem:$0x1E400] =	vst v63  }
0x3b: {  	s6 =	simm.s32 $0x700  }
0x3c: {  	[tilespmem:s10], [sflag:$0x2] =	stream.indirect.gather [hbm4b:s4+s13], $0x20, s6, s13, $0xb8;
	[tilespmem:$0x1E400] =	vst v63  }
0x3d: {  	s7 =	simm.s32 $0x780  }
0x3e: {  	[tilespmem:s16], [sflag:$0x2] =	stream.indirect.gather [hbm4b:s4+s13], $0x20, s7, s13, $0xb8;
	[tilespmem:$0x1E400] =	vst v63  }
0x3f: {  	_ =	swait.ge [sflag:s26], $0x8000  }
0x40: {  	[sflag:s26] =	ssyncset.done $0x0  }
0x41: {  	s8 =	rddreg [dreg:$0x6];
	[sflag:s26] =	ssyncadd.s32 $0xFFFF8000  }
0x42: {  	[hbm4b:s8+s3] =	stream.linear.scatter [tilespmem:s14], [sflag:$0x4], $0x8000, $0x38;
	[tilespmem:$0x1E400] =	vst v63  }
0x43: {  	s9 =	simm.s32 $0x800  }
0x44: {  	[tilespmem:s18], [sflag:$0x3] =	stream.indirect.gather [hbm4b:s4+s13], $0x20, s9, s13, $0xb8;
	[tilespmem:$0x1E400] =	vst v63  }
0x45: {  	s10 =	simm.s32 $0x880  }
0x46: {  	[tilespmem:s20], [sflag:$0x3] =	stream.indirect.gather [hbm4b:s4+s13], $0x20, s10, s13, $0xb8;
	[tilespmem:$0x1E400] =	vst v63  }
0x47: {  	s16 =	simm.s32 $0x900  }
0x48: {  	[tilespmem:s19], [sflag:$0x3] =	stream.indirect.gather [hbm4b:s4+s13], $0x20, s16, s13, $0xb8;
	[tilespmem:$0x1E400] =	vst v63  }
0x49: {  	s19 =	simm.s32 $0x980  }
0x4a: {  	[tilespmem:s29], [sflag:$0x3] =	stream.indirect.gather [hbm4b:s4+s13], $0x20, s19, s13, $0xb8;
	[tilespmem:$0x1E400] =	vst v63  }
0x4b: {  	s1 =	simm.s32 $0xA00  }
0x4c: {  	[tilespmem:s22], [sflag:$0x3] =	stream.indirect.gather [hbm4b:s4+s13], $0x20, s1, s13, $0xb8;
	[tilespmem:$0x1E400] =	vst v63  }
0x4d: {  	s5 =	simm.s32 $0xA80  }
0x4e: {  	[tilespmem:s24], [sflag:$0x3] =	stream.indirect.gather [hbm4b:s4+s13], $0x20, s5, s13, $0xb8;
	[tilespmem:$0x1E400] =	vst v63  }
0x4f: {  	s6 =	simm.s32 $0xB00  }
0x50: {  	[tilespmem:s31], [sflag:$0x3] =	stream.indirect.gather [hbm4b:s4+s13], $0x20, s6, s13, $0xb8;
	[tilespmem:$0x1E400] =	vst v63  }
0x51: {  	s7 =	simm.s32 $0x1D400;
	s8 =	simm.s32 $0xB80  }
0x52: {  	[tilespmem:s7], [sflag:$0x3] =	stream.indirect.gather [hbm4b:s4+s13], $0x20, s8, s13, $0xb8;
	[tilespmem:$0x1E400] =	vst v63  }
0x53: {  	_ =	swait.ge [sflag:s12], $0x8000  }
0x54: {  	[sflag:s12] =	ssyncset.done $0x0  }
0x55: {  	s9 =	rddreg [dreg:$0x7];
	[sflag:s12] =	ssyncadd.s32 $0xFFFF8000  }
0x56: {  	[hbm4b:s9+s3] =	stream.linear.scatter [tilespmem:s30], [sflag:$0x5], $0x8000, $0x38;
	[tilespmem:$0x1E400] =	vst v63  }
0x57: {  	_ =	swait.ge [sflag:s11], $0x8000  }
0x58: {  	[sflag:s11] =	ssyncset.done $0x0  }
0x59: {  	s10 =	simm.s32 $0xC00;
	[sflag:s11] =	ssyncadd.s32 $0xFFFF8000  }
0x5a: {  	[tilespmem:s14], [sflag:$0x1] =	stream.indirect.gather [hbm4b:s4+s13], $0x20, s10, s13, $0xb8;
	[tilespmem:$0x1E400] =	vst v63  }
0x5b: {  	s16 =	simm.s32 $0xC80  }
0x5c: {  	[tilespmem:s23], [sflag:$0x1] =	stream.indirect.gather [hbm4b:s4+s13], $0x20, s16, s13, $0xb8;
	[tilespmem:$0x1E400] =	vst v63  }
0x5d: {  	s23 =	simm.s32 $0xD00  }
0x5e: {  	[tilespmem:s25], [sflag:$0x1] =	stream.indirect.gather [hbm4b:s4+s13], $0x20, s23, s13, $0xb8;
	[tilespmem:$0x1E400] =	vst v63  }
0x5f: {  	s0 =	simm.s32 $0xD80  }
0x60: {  	[tilespmem:s28], [sflag:$0x1] =	stream.indirect.gather [hbm4b:s4+s13], $0x20, s0, s13, $0xb8;
	[tilespmem:$0x1E400] =	vst v63  }
0x61: {  	s5 =	simm.s32 $0xE00;
	s8 =	simm.s32 $0xA400  }
0x62: {  	[tilespmem:s8], [sflag:$0x1] =	stream.indirect.gather [hbm4b:s4+s13], $0x20, s5, s13, $0xb8;
	[tilespmem:$0x1E400] =	vst v63  }
0x63: {  	s9 =	simm.s32 $0xE80;
	s10 =	simm.s32 $0xB400  }
0x64: {  	[tilespmem:s10], [sflag:$0x1] =	stream.indirect.gather [hbm4b:s4+s13], $0x20, s9, s13, $0xb8;
	[tilespmem:$0x1E400] =	vst v63  }
0x65: {  	s16 =	simm.s32 $0xF00;
	s23 =	simm.s32 $0xC400  }
0x66: {  	[tilespmem:s23], [sflag:$0x1] =	stream.indirect.gather [hbm4b:s4+s13], $0x20, s16, s13, $0xb8;
	[tilespmem:$0x1E400] =	vst v63  }
0x67: {  	s25 =	simm.s32 $0xF80;
	s28 =	simm.s32 $0xD400  }
0x68: {  	[tilespmem:s28], [sflag:$0x1] =	stream.indirect.gather [hbm4b:s4+s13], $0x20, s25, s13, $0xb8;
	[tilespmem:$0x1E400] =	vst v63  }
0x69: {  	_ =	swait.ge [sflag:s2], $0x8000  }
0x6a: {  	s0 =	rddreg [dreg:$0x3];
	[sflag:s2] =	ssyncset.done $0x0  }
0x6b: {  	[sflag:s2] =	ssyncadd.s32 $0xFFFF8000;
	s19 =	sadd.s32 $0x0, s0  }
0x6c: {  	[hbm4b:s19+s3] =	stream.linear.scatter [tilespmem:s18], [sflag:$0x6], $0x8000, $0x38;
	[tilespmem:$0x1E400] =	vst v63  }
0x6d: {  	_ =	swait.ge [sflag:s15], $0x8000  }
0x6e: {  	[sflag:s15] =	ssyncset.done $0x0  }
0x6f: {  	s9 =	simm.s32 $0x1000;
	[sflag:s15] =	ssyncadd.s32 $0xFFFF8000  }
0x70: {  	[tilespmem:s30], [sflag:$0x2] =	stream.indirect.gather [hbm4b:s4+s13], $0x20, s9, s13, $0xb8;
	[tilespmem:$0x1E400] =	vst v63  }
0x71: {  	s6 =	simm.s32 $0xF400;
	s10 =	simm.s32 $0x1080  }
0x72: {  	[tilespmem:s6], [sflag:$0x2] =	stream.indirect.gather [hbm4b:s4+s13], $0x20, s10, s13, $0xb8;
	[tilespmem:$0x1E400] =	vst v63  }
0x73: {  	s31 =	simm.s32 $0x10400;
	s16 =	simm.s32 $0x1100  }
0x74: {  	[tilespmem:s31], [sflag:$0x2] =	stream.indirect.gather [hbm4b:s4+s13], $0x20, s16, s13, $0xb8;
	[tilespmem:$0x1E400] =	vst v63  }
0x75: {  	s1 =	simm.s32 $0x11400;
	s25 =	simm.s32 $0x1180  }
0x76: {  	[tilespmem:s1], [sflag:$0x2] =	stream.indirect.gather [hbm4b:s4+s13], $0x20, s25, s13, $0xb8;
	[tilespmem:$0x1E400] =	vst v63  }
0x77: {  	s22 =	simm.s32 $0x12400;
	s28 =	simm.s32 $0x1200  }
0x78: {  	[tilespmem:s22], [sflag:$0x2] =	stream.indirect.gather [hbm4b:s4+s13], $0x20, s28, s13, $0xb8;
	[tilespmem:$0x1E400] =	vst v63  }
0x79: {  	s24 =	simm.s32 $0x13400;
	s0 =	simm.s32 $0x1280  }
0x7a: {  	[tilespmem:s24], [sflag:$0x2] =	stream.indirect.gather [hbm4b:s4+s13], $0x20, s0, s13, $0xb8;
	[tilespmem:$0x1E400] =	vst v63  }
0x7b: {  	s6 =	simm.s32 $0x14400;
	s1 =	simm.s32 $0x1300  }
0x7c: {  	[tilespmem:s6], [sflag:$0x2] =	stream.indirect.gather [hbm4b:s4+s13], $0x20, s1, s13, $0xb8;
	[tilespmem:$0x1E400] =	vst v63  }
0x7d: {  	s25 =	simm.s32 $0x15400;
	s22 =	simm.s32 $0x1380  }
0x7e: {  	[tilespmem:s25], [sflag:$0x2] =	stream.indirect.gather [hbm4b:s4+s13], $0x20, s22, s13, $0xb8;
	[tilespmem:$0x1E400] =	vst v63  }
0x7f: {  	_ =	swait.ge [sflag:s26], $0x8000  }
0x80: {  	s25 =	rddreg [dreg:$0xb]  }
0x81: {  	[sflag:s26] =	ssyncset.done $0x0;
	s28 =	sshrl.u32 s25, $0x3  }
0x82: {  	[sflag:s26] =	ssyncadd.s32 $0xFFFF8000;
	s19 =	sadd.s32 s21, s28  }
0x83: {  	[hbm4b:s19+s3] =	stream.linear.scatter [tilespmem:s14], [sflag:$0x4], $0x8000, $0x38;
	[tilespmem:$0x1E400] =	vst v63  }
0x84: {  	_ =	swait.ge [sflag:s17], $0x8000  }
0x85: {  	[sflag:s17] =	ssyncset.done $0x0  }
0x86: {  	s1 =	simm.s32 $0x1400;
	[sflag:s17] =	ssyncadd.s32 $0xFFFF8000  }
0x87: {  	[tilespmem:s18], [sflag:$0x3] =	stream.indirect.gather [hbm4b:s4+s13], $0x20, s1, s13, $0xb8;
	[tilespmem:$0x1E400] =	vst v63  }
0x88: {  	s7 =	simm.s32 $0x18400;
	s8 =	simm.s32 $0x1B400;
	s6 =	simm.s32 $0x1480  }
0x89: {  	[tilespmem:s20], [sflag:$0x3] =	stream.indirect.gather [hbm4b:s4+s13], $0x20, s6, s13, $0xb8;
	[tilespmem:$0x1E400] =	vst v63  }
0x8a: {  	s5 =	simm.s32 $0x1A400;
	s23 =	simm.s32 $0x1C400;
	s22 =	simm.s32 $0x1500  }
0x8b: {  	[tilespmem:s7], [sflag:$0x3] =	stream.indirect.gather [hbm4b:s4+s13], $0x20, s22, s13, $0xb8;
	[tilespmem:$0x1E400] =	vst v63  }
0x8c: {  	s9 =	simm.s32 $0x11400;
	s10 =	simm.s32 $0x12400;
	s28 =	simm.s32 $0x1580  }
0x8d: {  	[tilespmem:s29], [sflag:$0x3] =	stream.indirect.gather [hbm4b:s4+s13], $0x20, s28, s13, $0xb8;
	[tilespmem:$0x1E400] =	vst v63  }
0x8e: {  	s16 =	simm.s32 $0x13400;
	s31 =	simm.s32 $0x1D400;
	s1 =	simm.s32 $0x1600  }
0x8f: {  	[tilespmem:s5], [sflag:$0x3] =	stream.indirect.gather [hbm4b:s4+s13], $0x20, s1, s13, $0xb8;
	[tilespmem:$0x1E400] =	vst v63  }
0x90: {  	s24 =	simm.s32 $0x14400;
	s0 =	simm.s32 $0x15400;
	s20 =	simm.s32 $0x1680  }
0x91: {  	[tilespmem:s8], [sflag:$0x3] =	stream.indirect.gather [hbm4b:s4+s13], $0x20, s20, s13, $0xb8;
	[tilespmem:$0x1E400] =	vst v63  }
0x92: {  	s19 =	simm.s32 $0x3000;
	s6 =	simm.s32 $0x18400;
	s22 =	simm.s32 $0x1700  }
0x93: {  	[tilespmem:s23], [sflag:$0x3] =	stream.indirect.gather [hbm4b:s4+s13], $0x20, s22, s13, $0xb8;
	[tilespmem:$0x1E400] =	vst v63  }
0x94: {  	s7 =	simm.s32 $0x1A400;
	s28 =	simm.s32 $0x1D400;
	s23 =	simm.s32 $0x1780  }
0x95: {  	[tilespmem:s28], [sflag:$0x3] =	stream.indirect.gather [hbm4b:s4+s13], $0x20, s23, s13, $0xb8;
	[tilespmem:$0x1E400] =	vst v63  }
0x96: {  	s5 =	simm.s32 $0x1B400;
	s1 =	smov.u32 s21;
	_ =	swait.ge [sflag:s12], $0x8000  }
0x97: {  	s21 =	sadd.s32 $0x18000, s25;
	s29 =	rddreg [dreg:$0x4];
	[sflag:s12] =	ssyncset.done $0x0  }
0x98: {  	s8 =	simm.s32 $0x1C400;
	[sflag:s12] =	ssyncadd.s32 $0xFFFF8000;
	s23 =	sadd.s32 $0x0, s29  }
.LBB2_2:
0x99: {  	[hbm4b:s23+s3] =	stream.linear.scatter [tilespmem:s30], [sflag:$0x5], $0x8000, $0x38;
	[tilespmem:$0x1E400] =	vst v63  }
0x9a: {  	s23 =	smov.u32 s19;
	_ =	swait.ge [sflag:s11], $0x8000  }
0x9b: {  	s25 =	sshra.s32 s23, $0x2;
	[sflag:s11] =	ssyncset.done $0x0  }
0x9c: {  	s28 =	sadd.s32 $0xC00, s25;
	[sflag:s11] =	ssyncadd.s32 $0xFFFF8000  }
0x9d: {  	[tilespmem:s14], [sflag:$0x1] =	stream.indirect.gather [hbm4b:s4+s13], $0x20, s28, s13, $0xb8;
	[tilespmem:$0x1E400] =	vst v63  }
0x9e: {  	s20 =	simm.s32 $0x7400;
	s22 =	sadd.s32 $0xC80, s25  }
0x9f: {  	[tilespmem:s20], [sflag:$0x1] =	stream.indirect.gather [hbm4b:s4+s13], $0x20, s22, s13, $0xb8;
	[tilespmem:$0x1E400] =	vst v63  }
0xa0: {  	s20 =	sadd.s32 $0xD00, s25;
	s22 =	simm.s32 $0x8400  }
0xa1: {  	[tilespmem:s22], [sflag:$0x1] =	stream.indirect.gather [hbm4b:s4+s13], $0x20, s20, s13, $0xb8;
	[tilespmem:$0x1E400] =	vst v63  }
0xa2: {  	s29 =	simm.s32 $0x9400;
	s22 =	sadd.s32 $0xD80, s25  }
0xa3: {  	[tilespmem:s29], [sflag:$0x1] =	stream.indirect.gather [hbm4b:s4+s13], $0x20, s22, s13, $0xb8;
	[tilespmem:$0x1E400] =	vst v63  }
0xa4: {  	s22 =	sadd.s32 $0xE00, s25;
	s29 =	simm.s32 $0xA400  }
0xa5: {  	[tilespmem:s29], [sflag:$0x1] =	stream.indirect.gather [hbm4b:s4+s13], $0x20, s22, s13, $0xb8;
	[tilespmem:$0x1E400] =	vst v63  }
0xa6: {  	s28 =	sadd.s32 $0xE80, s25;
	s22 =	simm.s32 $0xB400  }
0xa7: {  	[tilespmem:s22], [sflag:$0x1] =	stream.indirect.gather [hbm4b:s4+s13], $0x20, s28, s13, $0xb8;
	[tilespmem:$0x1E400] =	vst v63  }
0xa8: {  	s28 =	sadd.s32 $0xF00, s25;
	s22 =	simm.s32 $0xC400  }
0xa9: {  	[tilespmem:s22], [sflag:$0x1] =	stream.indirect.gather [hbm4b:s4+s13], $0x20, s28, s13, $0xb8;
	[tilespmem:$0x1E400] =	vst v63  }
0xaa: {  	s28 =	sadd.s32 $0xF80, s25;
	s22 =	simm.s32 $0xD400  }
0xab: {  	[tilespmem:s22], [sflag:$0x1] =	stream.indirect.gather [hbm4b:s4+s13], $0x20, s28, s13, $0xb8;
	[tilespmem:$0x1E400] =	vst v63  }
0xac: {  	_ =	swait.ge [sflag:s2], $0x8000  }
0xad: {  	s22 =	rddreg [dreg:$0x3];
	[sflag:s2] =	ssyncset.done $0x0  }
0xae: {  	[sflag:s2] =	ssyncadd.s32 $0xFFFF8000;
	s28 =	sadd.s32 s23, s22  }
0xaf: {  	[hbm4b:s28+s3] =	stream.linear.scatter [tilespmem:s18], [sflag:$0x6], $0x8000, $0x38;
	[tilespmem:$0x1E400] =	vst v63  }
0xb0: {  	_ =	swait.ge [sflag:s15], $0x8000  }
0xb1: {  	[sflag:s15] =	ssyncset.done $0x0  }
0xb2: {  	s22 =	sadd.s32 $0x1000, s25;
	[sflag:s15] =	ssyncadd.s32 $0xFFFF8000  }
0xb3: {  	[tilespmem:s30], [sflag:$0x2] =	stream.indirect.gather [hbm4b:s4+s13], $0x20, s22, s13, $0xb8;
	[tilespmem:$0x1E400] =	vst v63  }
0xb4: {  	s28 =	sadd.s32 $0x1080, s25;
	s22 =	simm.s32 $0xF400  }
0xb5: {  	[tilespmem:s22], [sflag:$0x2] =	stream.indirect.gather [hbm4b:s4+s13], $0x20, s28, s13, $0xb8;
	[tilespmem:$0x1E400] =	vst v63  }
0xb6: {  	s28 =	sadd.s32 $0x1100, s25;
	s22 =	simm.s32 $0x10400  }
0xb7: {  	[tilespmem:s22], [sflag:$0x2] =	stream.indirect.gather [hbm4b:s4+s13], $0x20, s28, s13, $0xb8;
	[tilespmem:$0x1E400] =	vst v63  }
0xb8: {  	s22 =	sadd.s32 $0x1180, s25  }
0xb9: {  	[tilespmem:s9], [sflag:$0x2] =	stream.indirect.gather [hbm4b:s4+s13], $0x20, s22, s13, $0xb8;
	[tilespmem:$0x1E400] =	vst v63  }
0xba: {  	s22 =	sadd.s32 $0x1200, s25  }
0xbb: {  	[tilespmem:s10], [sflag:$0x2] =	stream.indirect.gather [hbm4b:s4+s13], $0x20, s22, s13, $0xb8;
	[tilespmem:$0x1E400] =	vst v63  }
0xbc: {  	s22 =	sadd.s32 $0x1280, s25  }
0xbd: {  	[tilespmem:s16], [sflag:$0x2] =	stream.indirect.gather [hbm4b:s4+s13], $0x20, s22, s13, $0xb8;
	[tilespmem:$0x1E400] =	vst v63  }
0xbe: {  	s22 =	sadd.s32 $0x1300, s25  }
0xbf: {  	[tilespmem:s24], [sflag:$0x2] =	stream.indirect.gather [hbm4b:s4+s13], $0x20, s22, s13, $0xb8;
	[tilespmem:$0x1E400] =	vst v63  }
0xc0: {  	s22 =	sadd.s32 $0x1380, s25  }
0xc1: {  	[tilespmem:s0], [sflag:$0x2] =	stream.indirect.gather [hbm4b:s4+s13], $0x20, s22, s13, $0xb8;
	[tilespmem:$0x1E400] =	vst v63  }
0xc2: {  	_ =	swait.ge [sflag:s26], $0x8000  }
0xc3: {  	s22 =	sshrl.u32 s21, $0x3;
	[sflag:s26] =	ssyncset.done $0x0  }
0xc4: {  	s28 =	sadd.s32 s1, s22;
	[sflag:s26] =	ssyncadd.s32 $0xFFFF8000  }
0xc5: {  	[hbm4b:s28+s3] =	stream.linear.scatter [tilespmem:s14], [sflag:$0x4], $0x8000, $0x38;
	[tilespmem:$0x1E400] =	vst v63  }
0xc6: {  	_ =	swait.ge [sflag:s17], $0x8000  }
0xc7: {  	[sflag:s17] =	ssyncset.done $0x0  }
0xc8: {  	s22 =	sadd.s32 $0x1400, s25;
	[sflag:s17] =	ssyncadd.s32 $0xFFFF8000  }
0xc9: {  	[tilespmem:s18], [sflag:$0x3] =	stream.indirect.gather [hbm4b:s4+s13], $0x20, s22, s13, $0xb8;
	[tilespmem:$0x1E400] =	vst v63  }
0xca: {  	s20 =	simm.s32 $0x17400;
	s22 =	sadd.s32 $0x1480, s25  }
0xcb: {  	[tilespmem:s20], [sflag:$0x3] =	stream.indirect.gather [hbm4b:s4+s13], $0x20, s22, s13, $0xb8;
	[tilespmem:$0x1E400] =	vst v63  }
0xcc: {  	s22 =	sadd.s32 $0x1500, s25  }
0xcd: {  	[tilespmem:s6], [sflag:$0x3] =	stream.indirect.gather [hbm4b:s4+s13], $0x20, s22, s13, $0xb8;
	[tilespmem:$0x1E400] =	vst v63  }
0xce: {  	s29 =	simm.s32 $0x19400;
	s22 =	sadd.s32 $0x1580, s25  }
0xcf: {  	[tilespmem:s29], [sflag:$0x3] =	stream.indirect.gather [hbm4b:s4+s13], $0x20, s22, s13, $0xb8;
	[tilespmem:$0x1E400] =	vst v63  }
0xd0: {  	s22 =	sadd.s32 $0x1600, s25  }
0xd1: {  	[tilespmem:s7], [sflag:$0x3] =	stream.indirect.gather [hbm4b:s4+s13], $0x20, s22, s13, $0xb8;
	[tilespmem:$0x1E400] =	vst v63  }
0xd2: {  	s22 =	sadd.s32 $0x1680, s25  }
0xd3: {  	[tilespmem:s5], [sflag:$0x3] =	stream.indirect.gather [hbm4b:s4+s13], $0x20, s22, s13, $0xb8;
	[tilespmem:$0x1E400] =	vst v63  }
0xd4: {  	p0 =	sne.s32 s19, $0x12000;
	s22 =	sadd.s32 $0x1700, s25  }
0xd5: {  	[tilespmem:s8], [sflag:$0x3] =	stream.indirect.gather [hbm4b:s4+s13], $0x20, s22, s13, $0xb8;
	[tilespmem:$0x1E400] =	vst v63  }
.Ltmp0:
0xd6: {  	s25 =	sadd.s32 $0x1780, s25;
	(pc) =	sbr.rel @p0 .LBB2_2-.Ltmp0, $4  }
0xd7: {  	[tilespmem:s31], [sflag:$0x3] =	stream.indirect.gather [hbm4b:s4+s13], $0x20, s25, s13, $0xb8;
	[tilespmem:$0x1E400] =	vst v63  }
0xd8: {  	_ =	swait.ge [sflag:s12], $0x8000  }
0xd9: {  	s19 =	sadd.s32 $0x3000, s19;
	[sflag:s12] =	ssyncset.done $0x0;
	s28 =	rddreg [dreg:$0x4]  }
0xda: {  	s21 =	sadd.s32 $0x18000, s21;
	[sflag:s12] =	ssyncadd.s32 $0xFFFF8000;
	s23 =	sadd.s32 s23, s28  }
0xdb: {  	[hbm4b:s23+s3] =	stream.linear.scatter [tilespmem:s30], [sflag:$0x5], $0x8000, $0x38;
	[tilespmem:$0x1E400] =	vst v63  }
0xdc: {  	_ =	swait.ge [sflag:s11], $0x8000  }
0xdd: {  	[sflag:s11] =	ssyncset.done $0x0  }
0xde: {  	s0 =	simm.s32 $0x6000;
	[sflag:s11] =	ssyncadd.s32 $0xFFFF8000  }
0xdf: {  	[tilespmem:s14], [sflag:$0x1] =	stream.indirect.gather [hbm4b:s4+s13], $0x20, s0, s13, $0xb8;
	[tilespmem:$0x1E400] =	vst v63  }
0xe0: {  	s5 =	simm.s32 $0x7400;
	s24 =	simm.s32 $0x6080  }
0xe1: {  	[tilespmem:s5], [sflag:$0x1] =	stream.indirect.gather [hbm4b:s4+s13], $0x20, s24, s13, $0xb8;
	[tilespmem:$0x1E400] =	vst v63  }
0xe2: {  	s25 =	simm.s32 $0x8400;
	s28 =	simm.s32 $0x6100  }
0xe3: {  	[tilespmem:s25], [sflag:$0x1] =	stream.indirect.gather [hbm4b:s4+s13], $0x20, s28, s13, $0xb8;
	[tilespmem:$0x1E400] =	vst v63  }
0xe4: {  	s6 =	simm.s32 $0x9400;
	s7 =	simm.s32 $0x6180  }
0xe5: {  	[tilespmem:s6], [sflag:$0x1] =	stream.indirect.gather [hbm4b:s4+s13], $0x20, s7, s13, $0xb8;
	[tilespmem:$0x1E400] =	vst v63  }
0xe6: {  	s8 =	simm.s32 $0xA400;
	s9 =	simm.s32 $0x6200  }
0xe7: {  	[tilespmem:s8], [sflag:$0x1] =	stream.indirect.gather [hbm4b:s4+s13], $0x20, s9, s13, $0xb8;
	[tilespmem:$0x1E400] =	vst v63  }
0xe8: {  	s10 =	simm.s32 $0xB400;
	s16 =	simm.s32 $0x6280  }
0xe9: {  	[tilespmem:s10], [sflag:$0x1] =	stream.indirect.gather [hbm4b:s4+s13], $0x20, s16, s13, $0xb8;
	[tilespmem:$0x1E400] =	vst v63  }
0xea: {  	s19 =	simm.s32 $0xC400;
	s21 =	simm.s32 $0x6300  }
0xeb: {  	[tilespmem:s19], [sflag:$0x1] =	stream.indirect.gather [hbm4b:s4+s13], $0x20, s21, s13, $0xb8;
	[tilespmem:$0x1E400] =	vst v63  }
0xec: {  	s22 =	simm.s32 $0x6380;
	s23 =	simm.s32 $0xD400  }
0xed: {  	[tilespmem:s23], [sflag:$0x1] =	stream.indirect.gather [hbm4b:s4+s13], $0x20, s22, s13, $0xb8;
	[tilespmem:$0x1E400] =	vst v63  }
0xee: {  	_ =	swait.ge [sflag:s2], $0x8000  }
0xef: {  	[sflag:s2] =	ssyncset.done $0x0  }
0xf0: {  	s19 =	rddreg [dreg:$0x8];
	[sflag:s2] =	ssyncadd.s32 $0xFFFF8000  }
0xf1: {  	[hbm4b:s19+s3] =	stream.linear.scatter [tilespmem:s18], [sflag:$0x6], $0x8000, $0x38;
	[tilespmem:$0x1E400] =	vst v63  }
0xf2: {  	_ =	swait.ge [sflag:s26], $0x8000  }
0xf3: {  	[sflag:s26] =	ssyncset.done $0x0  }
0xf4: {  	s24 =	rddreg [dreg:$0x9];
	[sflag:s26] =	ssyncadd.s32 $0xFFFF8000  }
0xf5: {  	[hbm4b:s24+s3] =	stream.linear.scatter [tilespmem:s14], [sflag:$0x4], $0x8000, $0x38;
	[tilespmem:$0x1E400] =	vst v63  }
0xf6: {  	_ =	swait.ge [sflag:s15], $0x8000  }
0xf7: {  	[sflag:s15] =	ssyncset.done $0x0  }
0xf8: {  	[sflag:s15] =	ssyncadd.s32 $0xFFFF8000  }
0xf9: {  	_ =	swait.ge [sflag:s17], $0x8000  }
0xfa: {  	[sflag:s17] =	ssyncset.done $0x0  }
0xfb: {  	[sflag:s17] =	ssyncadd.s32 $0xFFFF8000  }
0xfc: {  	_ =	swait.ge [sflag:s11], $0x8000  }
0xfd: {  	s25 =	rddreg [dreg:$0xc]  }
0xfe: {  	s28 =	rddreg [dreg:$0xa];
	s0 =	sadd.s32 $0x1, s25  }
0xff: {  	p0 =	sne.s32 s0, s28  }
.Ltmp1:
0x100: {  	s31 =	simm.s32 $0x1C400;
	s5 =	simm.s32 $0xF400;
	(pc) =	sbr.rel @p0 .LBB2_1-.Ltmp1, $4  }
0x101: {  	s6 =	simm.s32 $0x10400;
	s7 =	simm.s32 $0x11400;
	s8 =	simm.s32 $0x12400  }
0x102: {  	s9 =	simm.s32 $0x13400;
	s10 =	simm.s32 $0x14400;
	s16 =	simm.s32 $0x15400  }
0x103: {  	s21 =	smov.u32 s1;
	s22 =	simm.s32 $0x1A400;
	[sflag:s11] =	ssyncset.done $0x0  }
0x104: {  	s19 =	simm.s32 $0x18400;
	s24 =	simm.s32 $0x1B400;
	[sflag:s11] =	ssyncadd.s32 $0xFFFF8000  }
0x105: {  	_ =	sfence.sel $0x180000  }
0x106: {  	[bflag:$0x0] =	sbarrier.arrive $0xFFFF  }
0x107: {  	_ =	strace $0x90000047  }
0x108: {  	s0 =	stileid.u32;
	[bflag:$0x2] =	sbarrier.arrive $0xFFFF  }
0x109: {  	p0 =	sne.s32 s0, $0x0;
	s0 =	rddreg [dreg:$0x2]  }
0x10a: {  	s0 =	sadd.s32 @!p0 $0x100000, s0  }
0x10b: {  	[sflag:s0] =	ssyncadd.tile.s32 @!p0 $0x1;
	_ =	shalt  }
.Lfunc_end2:
_tile_overlayer_lowered:
.L_overlay_start_2:
0x10c: {  	(tag) =	ssettag $0x2  }
0x10d: {  	s0 =	rddreg [dreg:$0x0];
	s2 =	stileid.u32  }
0x10e: {  	s1 =	rddreg [dreg:$0x1];
	p0 =	sne.s32 s2, $0x0  }
0x10f: {  	s3 =	rddreg [dreg:$0x2];
	[bflag:$0x3] =	sbarrier.arrive $0xFFFF;
	s2 =	simm.s32 @!p0 $0x1C07  }
0x110: {  	[timem:s3], [sflag:s2] =	dma.local @!p0 [hbm:s0], s1  }
0x111: {  	s0 =	simm.s32 @!p0 $0x7  }
0x112: {  	_ =	swait.ge @!p0 [sflag:s0], s1  }
0x113: {  	s1 =	ssub.s32 @!p0 $0x0, s1;
	[sflag:s0] =	ssyncset.done @!p0 $0x0  }
0x114: {  	[sflag:s0] =	ssyncadd.s32 @!p0 s1  }
0x115: {  	[bflag:$0x3] =	sbarrier.arrive $0xFFFF  }
0x116: {  	_ =	shalt  }

// kernel: sparse-core-data-format-call.cloned.1.call-start
scs
called_computation_lowered:
.L_overlay_start_0:
0x0: {  	s2 =	sld [smem:$0x3FD9]  }
0x1: {  	s3 =	sld [smem:$0x3FFE];
	_ =	sdelay $0x1  }
0x2: {  	s1 =	srdreg.scid  }
0x3: {  	s0 =	sand.u32 $0x1, s1  }
0x4: {  	s18 =	sshll.u32 s0, $0xA;
	s2 =	sadd.s32 s3, s2  }
0x5: {  	s2 =	sadd.s32 s2, s18  }
0x6: {  	[smem:$0x3FC6] =	sst s2  }
0x7: {  	_ = 	snop  }
0x8: {  	s2 =	sld [smem:$0x3FD0];
	(tm) =	ssettm $0x1  }
0x9: {  	s19 =	sld [smem:$0x3FFB];
	_ =	sdelay $0x3  }
0xa: {  	_ =	strace s19  }
0xb: {  	s3 =	sld [smem:$0x3FFC];
	_ =	sdelay $0x3  }
0xc: {  	_ =	strace s3  }
0xd: {  	s3 =	sld [smem:$0x3FFD];
	_ =	sdelay $0x3  }
0xe: {  	_ =	strace s3  }
0xf: {  	_ =	strace $0x8FFFFFFF  }
0x10: {  	s20 =	sld [smem:$0x3FDB];
	_ =	sdelay $0x1  }
0x11: {  	s4 =	simm.s32 $_scs_section_size  }
0x12: {  	s5 =	simm.s32 $_size__tile_overlayer_lowered;
	s6 =	simm.s32 $_tile_overlayer_lowered  }
0x13: {  	s23 =	simm.s32 $0x1BFF;
	s22 =	sshll.u32 s6, $0x1;
	s3 =	sadd.s32 s4, s20  }
0x14: {  	s7 =	simm.s32 $0x0;
	s21 =	sshll.u32 s5, $0x1;
	s5 =	sadd.s32 s22, s3  }
0x15: {  	[timem:s7], [sflag:s23] =	dma.local [hbm:s5], s21  }
0x16: {  	_ =	swait.ge [sflag:s23], s21  }
0x17: {  	s4 =	ssub.s32 $0x0, s21;
	[sflag:s23] =	ssyncset.done $0x0  }
0x18: {  	[sflag:s23] =	ssyncadd.s32 s4;
	_ =	sdelay $0x1  }
0x19: {  	s24 =	simm.s32 $0x1B8B  }
0x1a: {  	_ =	swait.ge [sflag:s24], $0x1  }
0x1b: {  	[sflag:s24] =	ssyncset.done $0x0  }
0x1c: {  	s26 =	simm.s32 $0x1B8E;
	s25 =	sld [smem:$0x3FFE];
	[sflag:s24] =	ssyncadd.s32 $0xFFFFFFFF  }
0x1d: {  	s27 =	simm.s32 $execute0_lowered;
	[smem:$0x3FD2] =	sst s26  }
0x1e: {  	s5 =	sshll.u32 s27, $0x1;
	_ =	strace $0x80000049;
	[dreg:$0x1] =	wrdreg $0xFFFFFFFF  }
0x1f: {  	s28 =	simm.s32 $_size_execute0_lowered;
	s3 =	sadd.s32 s3, s5;
	[dreg:$0x0] =	wrdreg $0x0  }
0x20: {  	s5 =	sshll.u32 s28, $0x1;
	[dreg:$0x2] =	wrdreg s3  }
0x21: {  	[dreg:$0x3] =	wrdreg s5  }
0x22: {  	[dreg:$0x4] =	wrdreg $0xC0  }
0x23: {  	_ =	task [dreg:s7], $0x5FFFF  }
0x24: {  	[dreg:$0x1] =	wrdreg $0xFFFFFFFF  }
0x25: {  	[dreg:$0x0] =	wrdreg $0x60  }
0x26: {  	[dreg:$0x2] =	wrdreg s25  }
0x27: {  	[dreg:$0x3] =	wrdreg s2  }
0x28: {  	[dreg:$0x4] =	wrdreg $0x9  }
0x29: {  	_ =	task.clear_ibuf [dreg:s7], $0x5FFFF;
	_ =	strace $0x90000049  }
0x2a: {  	s29 =	simm.s32 $0x9;
	_ =	strace $0x8000004B  }
0x2b: {  	_ =	swait.ge [sflag:s29], $0x1  }
0x2c: {  	[sflag:s29] =	ssyncadd.s32 $0xFFFFFFFF  }
0x2d: {  	_ =	strace $0x9000004B  }
0x2e: {  	_ =	sfence  }
0x2f: {  	s30 =	sld [smem:$0x0];
	_ =	sdelay $0x2  }
0x30: {  	s31 =	sshll.u32 s1, $0xD;
	s1 =	sshrl.u32 s1, $0x2  }
0x31: {  	s3 =	sand.u32 $0x4000, s31;
	s1 =	sadd.s32 s1, s30  }
0x32: {  	s0 =	sor.u32 s3, s0;
	s1 =	sshll.u32 s1, $0x11  }
0x33: {  	s0 =	sor.u32 s1, s0  }
0x34: {  	s0 =	sadd.s32 $0x8F2B, s0  }
0x35: {  	[sflag:s0] =	ssyncadd.remote.s32 $0x1  }
0x36: {  	_ =	sfence.sel $0xFFFF  }
0x37: {  	[dreg:$0x0] =	wrdreg $0xFFFFFFFF;
	(pc) =	sbr.abs _section_cstart, $3  }
0x38: {  	[dreg:$0x1] =	wrdreg $0xFFFFFFFF  }
0x39: {  	_ =	task.clear_ibuf [dreg:s7], $0x2FFFF;
	_ =	strace $0x9FFFFFFF  }
0x3a: {  	(tm) =	ssettm $0x7FFFFFFF  }
0x3b: {  	_ =	shalt  }
tec
execute0_lowered:
.L_overlay_start_1:
0x0: {  	(tag) =	ssettag $0x1  }
0x1: {  	s0 =	srdreg.scid  }
0x2: {  	s1 =	sshll.u32 s0, $0x4  }
0x3: {  	s0 =	stileid.u32;
	s1 =	sand.u32 $0x10, s1  }
0x4: {  	s1 =	sor.u32 s0, s1  }
0x5: {  	s6 =	rddreg [dreg:$0x0];
	s4 =	simm.s32 $0x1;
	s2 =	sshll.u32 s1, $0x7  }
0x6: {  	s7 =	simm.s32 $0x2;
	s12 =	simm.s32 $0x0;
	s1 =	ssub.s32 $0x1000, s2  }
0x7: {  	s8 =	simm.s32 $0x8000;
	s13 =	simm.s32 $0x0;
	s3 =	sand.u32 $0xF80, s1  }
0x8: {  	s9 =	simm.s32 $0x0;
	s5 =	sshrl.u32 s1, $0xC;
	p0 =	sne.s32 s3, $0x0  }
.Ltmp0:
0x9: {  	s1 =	rddreg [dreg:$0x2];
	s4 =	simm.s32 @!p0 $0x0;
	(pc) =	sbr.rel .LBB1_1-.Ltmp0, $4  }
0xa: {  	s11 =	simm.s32 $0x0;
	s3 =	rddreg [dreg:$0x1];
	s5 =	sadd.s32 s4, s5  }
0xb: {  	_ =	strace $0x8000004A;
	s4 =	simm.s32 $0x1;
	s5 =	smul.u32 $0xC8, s5  }
0xc: {  	s6 =	sadd.s32 $0xA00, s6;
	s10 =	smov.u32 s2;
	[sflag:s4] =	ssyncpa.u1 $0x0  }
0xd: {  	p0 =	por $0x0, $0x0;
	[sflag:s7] =	ssyncpa.u1 $0x0;
	s7 =	sor.u32 $0x1, s5  }
.LBB1_4:
0xe: {  	s16 =	sshll.u32 s13, $0x3;
	s17 =	sand.u32 $0x78, s13  }
0xf: {  	s30 =	sand.u32 $0x3E00, s13;
	s12 =	sshll.u32 s12, $0xE;
	s16 =	sand.u32 $0xC00, s16  }
0x10: {  	s31 =	sand.u32 $0x7, s13;
	s16 =	sor.u32 s17, s16;
	s17 =	sadd.s32 s3, s30  }
0x11: {  	s13 =	sshll.u32 s31, $0x12;
	s16 =	sshrl.u32 s16, $0x3;
	s12 =	sadd.s32 s12, s17  }
0x12: {  	[tilespmem:s15+$0x0 ss:$0x81] =	vst.msk $0xffff, v0;
	s13 =	sor.u32 $0x400, s13;
	s12 =	sadd.s32 s16, s12  }
0x13: {  	[hbm4b:s12+s13] =	stream.strided.scatter [tilespmem:s14], [sflag:$0x2], $0x1000, s8, s13, $0x20;
	[tilespmem:$0x4040] =	vst v63  }
.LBB1_5:
0x14: {  	s14 =	sadd.s32 $0x1, s9  }
0x15: {  	s12 =	sadd.s32 $0x1000, s10;
	s16 =	smov.u32 s10;
	p2 =	sgt.s32 s14, $0xC7  }
0x16: {  	s16 =	smov.u32 @p2 s12  }
0x17: {  	s14 =	simm.s32 @p2 $0x0;
	p2 =	sgt.s32 s16, $0xFFF  }
0x18: {  	s16 =	smov.u32 @p2 s2;
	p2 =	sne.s32 s11, s7  }
.Ltmp1:
0x19: {  	p1 =	slt.u32 s11, $0x2;
	(pc) =	sbr.rel @!p2 .LBB1_6-.Ltmp1, $4  }
0x1a: {  	s15 =	simm.s32 @!p1 $0x2  }
0x1b: {  	s13 =	smov.u32 s10;
	p0 =	por !p0, !p0;
	_ =	swait.ge @!p1 [sflag:s15], $0x1000  }
0x1c: {  	s12 =	smov.u32 s9;
	[sflag:s15] =	ssyncset.done @!p1 $0x0;
	s9 =	smov.u32 s14  }
0x1d: {  	s11 =	sadd.s32 $0x1, s11;
	[sflag:s15] =	ssyncadd.s32 @!p1 $0xFFFFF000;
	s10 =	smov.u32 s16  }
.LBB1_1:
0x1e: {  	p1 =	sge.u32 s11, s5  }
0x1f: {  	s14 =	sand.u32 @!p1 $0x1FFFFFF, s9  }
0x20: {  	s15 =	smulhi.u32 @!p1 $0x147AE15, s14;
	_ =	sdelay $0x1  }
0x21: {  	s15 =	smul.u32 @!p1 $0xC8, s15  }
0x22: {  	s16 =	sxor.u32 @!p1 $0xFFFFFFFF, s11;
	s17 =	smul.u32 @!p1 $0xC80, s10  }
0x23: {  	s31 =	sadd.s32 $0xFFFFFFFF, s11;
	s16 =	sshll.u32 @!p1 s16, $0xC;
	s14 =	ssub.s32 @!p1 s14, s15  }
0x24: {  	s15 =	sand.u32 @!p1 $0x1000, s16;
	s16 =	sadd.s32 @!p1 s6, s17;
	s14 =	sshll.u32 @!p1 s14, $0x4  }
0x25: {  	s17 =	simm.s32 @!p1 $0x6400;
	s14 =	sadd.s32 @!p1 s14, s16;
	s16 =	simm.s32 @!p1 $0x20  }
0x26: {  	[tilespmem:s15], [sflag:$0x1] =	stream.strided.gather @!p1 [hbm4b:s14+s16], $0x1000, s17, s16, $0x38;
	[tilespmem:$0x4040] =	vst v63  }
0x27: {  	p1 =	sge.u32 s31, s5  }
.Ltmp2:
0x28: {  	_ = 	snop;
	(pc) =	sbr.rel @p1 .LBB1_5-.Ltmp2, $1  }
0x29: {  	_ =	sdelay $0x3  }
0x2a: {  	s14 =	simm.s32 $0x1  }
0x2b: {  	_ =	swait.ge [sflag:s4], $0x1000;
	s14 =	simm.s32 @!p0 $0x0  }
0x2c: {  	[sflag:s4] =	ssyncset.done $0x0;
	s15 =	sshll.u32 s14, $0xC  }
0x2d: {  	[sflag:s4] =	ssyncadd.s32 $0xFFFFF000;
	s18 =	sor.u32 $0x10, s15  }
0x2e: {  	s14 =	smul.u32 $0x4080, s14;
	v1 =	vld [tilespmem:s18+$0x0]  }
0x2f: {  	s30 =	sand.u32 $0x1, s11;
	v0 =	vld [tilespmem:s18+$0xFFFFFFF0]  }
0x30: {  	s15 =	smul.u32 $0x4080, s30;
	s14 =	sshrl.u32 s14, $0x2  }
0x31: {  	s16 =	sor.u32 $0x2000, s14  }
0x32: {  	s31 =	sshrl.u32 s15, $0x2;
	s15 =	sadd.s32 $0x0, s16  }
0x33: {  	s17 =	simm.s32 $0x4;
	s18 =	sadd.s32 $0x20, s18;
	s14 =	sor.u32 $0x2000, s31;
	[tilespmem:s15+$0x810 ss:$0x81] =	vst.msk $0xffff, v1  }
.LBB1_3:
0x34: {  	v1 =	vld [tilespmem:s18+$0x0];
	p1 =	sne.s32 s17, $0x1FC;
	[tilespmem:s15+$0x0 ss:$0x81] =	vst.msk $0xffff, v0;
	s15 =	smov.u32 s17;
	s17 =	sadd.s32 $0x4, s17  }
.Ltmp3:
0x35: {  	v0 =	vld [tilespmem:s18+$0xFFFFFFF0];
	(pc) =	sbr.rel @p1 .LBB1_3-.Ltmp3, $4  }
0x36: {  	_ = 	snop  }
0x37: {  	s15 =	sshra.s32 s15, $0x2  }
0x38: {  	s15 =	sadd.s32 s15, s16  }
0x39: {  	s18 =	sadd.s32 $0x20, s18;
	[tilespmem:s15+$0x810 ss:$0x81] =	vst.msk $0xffff, v1  }
.Ltmp4:
0x3a: {  	_ = 	snop;
	(pc) =	sbr.rel .LBB1_4-.Ltmp4, $1  }
0x3b: {  	_ =	sdelay $0x3  }
.LBB1_6:
0x3c: {  	_ =	sfence.sel $0x180000  }
0x3d: {  	s2 =	simm.s32 $0x1;
	[bflag:$0x0] =	sbarrier.arrive $0xFFFF  }
0x3e: {  	s31 =	simm.s32 $0x2;
	[sflag:s2] =	ssyncpa.u1 $0x1  }
0x3f: {  	[sflag:s31] =	ssyncpa.u1 $0x1  }
0x40: {  	p0 =	sne.s32 s0, $0x0;
	_ =	strace $0x9000004A  }
0x41: {  	s0 =	sadd.s32 @!p0 $0x100000, s1;
	[bflag:$0x2] =	sbarrier.arrive $0xFFFF  }
0x42: {  	[sflag:s0] =	ssyncadd.tile.s32 @!p0 $0x1;
	_ =	shalt  }
.Lfunc_end1:
_tile_overlayer_lowered:
.L_overlay_start_2:
0x43: {  	(tag) =	ssettag $0x2  }
0x44: {  	s0 =	rddreg [dreg:$0x0];
	s2 =	stileid.u32  }
0x45: {  	s1 =	rddreg [dreg:$0x1];
	p0 =	sne.s32 s2, $0x0  }
0x46: {  	s3 =	rddreg [dreg:$0x2];
	[bflag:$0x3] =	sbarrier.arrive $0xFFFF;
	s2 =	simm.s32 @!p0 $0x1C01  }
0x47: {  	[timem:s3], [sflag:s2] =	dma.local @!p0 [hbm:s0], s1  }
0x48: {  	s0 =	simm.s32 @!p0 $0x1  }
0x49: {  	_ =	swait.ge @!p0 [sflag:s0], s1  }
0x4a: {  	s1 =	ssub.s32 @!p0 $0x0, s1;
	[sflag:s0] =	ssyncset.done @!p0 $0x0  }
0x4b: {  	[sflag:s0] =	ssyncadd.s32 @!p0 s1  }
0x4c: {  	[bflag:$0x3] =	sbarrier.arrive $0xFFFF  }
0x4d: {  	_ =	shalt  }

</sc_bundles>
